<compile_context>
chip_gen: v7x
topology: tpu7x:2x2x1
jax: 0.10.2.dev20260603
libtpu: 0.0.44.dev20260713+nightly
codegen_flags: <defaults>
</compile_context>

<pallas_src>
import functools

import jax
import jax.numpy as jnp
from jax import lax
from jax.experimental import pallas as pl
from jax.experimental.pallas import tpu as pltpu
from jax.experimental.pallas import tpu_sc as plsc


@functools.lru_cache(maxsize=None)
def _build(R, T, max_blocks):
    spec_num = T - 1
    info = plsc.get_sparse_core_info()
    NC, NS, L = info.num_cores, info.num_subcores, info.num_lanes
    NW = NC * NS
    rows_per_w = R // NW
    elems_per_w = rows_per_w * T
    n_vec = elems_per_w // L
    off_acc = R
    off_samp = 2 * R
    off_spec = 2 * R + R * T
    off_bs = 2 * R + R * T + R * spec_num
    mesh = plsc.VectorSubcoreMesh(core_axis_name="c", subcore_axis_name="s")

    @functools.partial(
        pl.kernel,
        mesh=mesh,
        compiler_params=pltpu.CompilerParams(needs_layout_passes=False),
        out_type=[jax.ShapeDtypeStruct((R * T,), jnp.int32)] * 4,
        scratch_types=[
            pltpu.VMEM((L,), jnp.int32),
            pltpu.VMEM((rows_per_w,), jnp.int32),
            pltpu.VMEM((rows_per_w,), jnp.int32),
            pltpu.VMEM((T * rows_per_w,), jnp.int32),
            pltpu.VMEM((spec_num * rows_per_w,), jnp.int32),
            pltpu.VMEM((rows_per_w, max_blocks), jnp.int32),
            pltpu.VMEM((elems_per_w,), jnp.int32),
            pltpu.VMEM((elems_per_w,), jnp.int32),
            pltpu.VMEM((elems_per_w,), jnp.int32),
            pltpu.VMEM((elems_per_w,), jnp.int32),
            pltpu.SemaphoreType.DMA,
        ],
    )
    def body(packed_hbm, bt_hbm, tok_hbm, opos_hbm, olen_hbm, oslot_hbm,
             bs_v, pos_v, acc_v, samp_v, spec_v, bt_v,
             tok_o, pos_o, len_o, slot_o, sem):
        wid = lax.axis_index("s") * NC + lax.axis_index("c")
        r0 = wid * rows_per_w
        copies = [
            pltpu.async_copy(packed_hbm.at[pl.ds(off_bs, L)], bs_v, sem),
            pltpu.async_copy(packed_hbm.at[pl.ds(r0, rows_per_w)], pos_v, sem),
            pltpu.async_copy(
                packed_hbm.at[pl.ds(off_acc + r0, rows_per_w)], acc_v, sem),
            pltpu.async_copy(
                packed_hbm.at[pl.ds(off_samp + r0 * T, T * rows_per_w)], samp_v, sem),
            pltpu.async_copy(
                packed_hbm.at[pl.ds(off_spec + r0 * spec_num,
                                    spec_num * rows_per_w)], spec_v, sem),
            pltpu.async_copy(bt_hbm.at[pl.ds(r0, rows_per_w)], bt_v, sem),
        ]
        for c in copies:
            c.wait()
        lane = lax.iota(jnp.int32, L)
        bs = bs_v[...]
        one = jnp.int32(1)
        for k in range(n_vec):
            f = lane + jnp.int32(k * L)
            i_loc = lax.div(f, jnp.int32(T))
            j = f - i_loc * jnp.int32(T)
            acc = plsc.load_gather(acc_v, [i_loc])
            base = plsc.load_gather(pos_v, [i_loc]) + acc
            position = base + j
            blk_col = lax.div(position, bs)
            blk = plsc.load_gather(bt_v, [i_loc, blk_col])
            slot = blk * bs + (position - blk_col * bs)
            tok_bonus = plsc.load_gather(samp_v, [i_loc * jnp.int32(T) + acc - one])
            tok_spec = plsc.load_gather(
                spec_v, [i_loc * jnp.int32(spec_num) + jnp.maximum(j - one, 0)])
            tok = jnp.where(j == 0, tok_bonus, tok_spec)
            sl = pl.ds(k * L, L)
            tok_o[sl] = tok
            pos_o[sl] = position
            len_o[sl] = position + one
            slot_o[sl] = slot
        e0 = wid * elems_per_w
        out_copies = [
            pltpu.async_copy(tok_o, tok_hbm.at[pl.ds(e0, elems_per_w)], sem),
            pltpu.async_copy(pos_o, opos_hbm.at[pl.ds(e0, elems_per_w)], sem),
            pltpu.async_copy(len_o, olen_hbm.at[pl.ds(e0, elems_per_w)], sem),
            pltpu.async_copy(slot_o, oslot_hbm.at[pl.ds(e0, elems_per_w)], sem),
        ]
        for c in out_copies:
            c.wait()

    return body


def kernel(input_tokens, sampled_tokens, input_positions, seq_lens, slot_mapping,
           block_table, spec_tokens, accepted_num, num_seqs, num_queries, block_size):
    R = sampled_tokens.shape[0]
    spec_num = spec_tokens.shape[1]
    T = 1 + spec_num
    max_blocks = block_table.shape[1]
    i64 = input_positions.dtype
    fn = _build(R, T, max_blocks)
    packed = jnp.concatenate([
        input_positions.astype(jnp.int32),
        accepted_num.astype(jnp.int32),
        sampled_tokens.astype(jnp.int32).reshape(-1),
        spec_tokens.astype(jnp.int32).reshape(-1),
        jnp.full((16,), block_size, jnp.int32),
    ])
    tok, pos, slen, slot = fn(packed, block_table)
    return (tok.astype(i64), pos.astype(i64), slen.astype(i64), slot.astype(i64))

# --- scband reference (transcript-rebuilt; emitter-appended) ---
"""Pipeline reference for scband-model-new-17411797418168 (READ-ONLY COPY).

The authoritative reference and input builder live on the scoring server;
editing this copy changes nothing except your own understanding.
"""

import jax, jax.numpy as jnp
import numpy as np
jax.config.update("jax_enable_x64", True)


def setup_inputs(seed: int = 0) -> dict:
    key = jax.random.key(seed)
    ks = jax.random.split(key, 8)
    R = 1024                 # num_seqs / num_queries
    spec_num = 4             # draft tokens per request
    sampled_cols = spec_num + 1
    max_num_blocks = 256     # 32768 max context / block_size 128
    block_size = 128
    vocab = 32000
    input_tokens = jax.random.randint(ks[0], (R,), 0, vocab, dtype=jnp.int64)
    sampled_tokens = jax.random.randint(ks[1], (R, sampled_cols), 0, vocab, dtype=jnp.int64)
    input_positions = jax.random.randint(ks[2], (R,), 0, 30000, dtype=jnp.int64)
    seq_lens = input_positions + 1
    slot_mapping = jax.random.randint(ks[3], (R,), 0, max_num_blocks * block_size, dtype=jnp.int64)
    block_table = jax.random.randint(ks[4], (R, max_num_blocks), 0, R * max_num_blocks, dtype=jnp.int32)
    spec_tokens = jax.random.randint(ks[5], (R, spec_num), 0, vocab, dtype=jnp.int64)
    # accepted_num in [1, sampled_cols] so that (accepted_num - 1) is a valid column index
    accepted_num = jax.random.randint(ks[6], (R,), 1, sampled_cols + 1, dtype=jnp.int64)
    return {
        "input_tokens": input_tokens,
        "sampled_tokens": sampled_tokens,
        "input_positions": input_positions,
        "seq_lens": seq_lens,
        "slot_mapping": slot_mapping,
        "block_table": block_table,
        "spec_tokens": spec_tokens,
        "accepted_num": accepted_num,
        "num_seqs": R,
        "num_queries": R,
        "block_size": block_size,
    }


def reference(input_tokens, sampled_tokens, input_positions, seq_lens, slot_mapping,
              block_table, spec_tokens, accepted_num, num_seqs, num_queries, block_size):
    # Faithful reconstruction of vLLM-style advance_step_v2 for speculative decoding.
    # For each request i with acc = accepted_num[i] accepted tokens:
    #   next-step tokens = [sampled_tokens[i, acc-1], spec_tokens[i, 0..spec_num-1]]
    #   positions        = input_positions[i] + acc + j, j in [0, 1+spec_num)
    #   seq_lens         = position + 1
    #   slot_mapping     = block_table[i, pos // block_size] * block_size + pos % block_size
    # Outputs are scatter-written at flat index i * token_each_reqs + j, which in
    # row-major order is exactly a reshape(-1) of the [R, T] grids below.
    R = num_seqs
    spec_num = spec_tokens.shape[1]
    T = 1 + spec_num
    # gather the last accepted (bonus) token per request
    last_tok = jnp.take_along_axis(sampled_tokens, (accepted_num - 1)[:, None], axis=1)  # [R, 1]
    out_tokens = jnp.concatenate([last_tok, spec_tokens], axis=1)                        # [R, T]
    base = input_positions + accepted_num                                                # [R]
    positions = base[:, None] + jnp.arange(T, dtype=base.dtype)[None, :]                 # [R, T]
    new_seq_lens = positions + 1
    blk_idx = positions // block_size
    blk = jnp.take_along_axis(block_table.astype(jnp.int64), blk_idx, axis=1)            # [R, T]
    slots = blk * block_size + positions % block_size
    return (out_tokens.reshape(-1), positions.reshape(-1),
            new_seq_lens.reshape(-1), slots.reshape(-1))

if __name__ == "__main__":
    import jax
    _d = setup_inputs()
    print(jax.jit(kernel)(*tuple(_d.values())))

</pallas_src>

<mosaic_0001>
#map = affine_map<(d0, d1) -> (0)>
#map1 = affine_map<(d0, d1) -> (0, 0)>
module attributes {stable_mosaic.version = 14 : i64} {
  func.func @body(%arg0: i32, %arg1: i32, %arg2: memref<11280xi32, #tpu.memory_space<hbm>>, %arg3: memref<1024x256xi32, #tpu.memory_space<hbm>>, %arg4: memref<5120xi32, #tpu.memory_space<hbm>>, %arg5: memref<5120xi32, #tpu.memory_space<hbm>>, %arg6: memref<5120xi32, #tpu.memory_space<hbm>>, %arg7: memref<5120xi32, #tpu.memory_space<hbm>>, %arg8: memref<16xi32, #tpu.memory_space<vmem>>, %arg9: memref<32xi32, #tpu.memory_space<vmem>>, %arg10: memref<32xi32, #tpu.memory_space<vmem>>, %arg11: memref<160xi32, #tpu.memory_space<vmem>>, %arg12: memref<128xi32, #tpu.memory_space<vmem>>, %arg13: memref<32x256xi32, #tpu.memory_space<vmem>>, %arg14: memref<160xi32, #tpu.memory_space<vmem>>, %arg15: memref<160xi32, #tpu.memory_space<vmem>>, %arg16: memref<160xi32, #tpu.memory_space<vmem>>, %arg17: memref<160xi32, #tpu.memory_space<vmem>>, %arg18: memref<!tpu.dma_semaphore, #tpu.memory_space<semaphore_mem>>) attributes {dimension_semantics = [#tpu.dimension_semantics<core_parallel>, #tpu.dimension_semantics<subcore_parallel>], iteration_bounds = array<i64: 2, 16>, scalar_prefetch = 0 : i64, scratch_operands = 11 : i64, tpu.core_type = #tpu.core_type<sc_vector_subcore>, window_params = [{transform_indices = #map}, {transform_indices = #map1}, {transform_indices = #map}, {transform_indices = #map}, {transform_indices = #map}, {transform_indices = #map}]} {
    %mul3A = arith.constant 2 : i32
    %mul3A_0 = arith.muli %arg1, %mul3A : i32
    %add3A = arith.addi %mul3A_0, %arg0 : i32
    %mul3A_1 = arith.constant 32 : i32
    %mul3A_2 = arith.muli %add3A, %mul3A_1 : i32
    %dma_start3A = arith.constant 11264 : i32
    %dma_start3A_3 = tpu.memref_slice %arg2[%dma_start3A] : memref<11280xi32, #tpu.memory_space<hbm>> -> memref<16xi32, #tpu.memory_space<hbm>>
    %dma_start3A_4 = arith.constant 11264 : i32
    %dma_start3A_5 = tpu.memref_slice %arg2[%dma_start3A_4] : memref<11280xi32, #tpu.memory_space<hbm>> -> memref<16xi32, #tpu.memory_space<hbm>>
    tpu.enqueue_dma source(%dma_start3A_5 : memref<16xi32, #tpu.memory_space<hbm>>) target(%arg8 : memref<16xi32, #tpu.memory_space<vmem>>) target_semaphore(%arg18 : memref<!tpu.dma_semaphore, #tpu.memory_space<semaphore_mem>>)
    %dma_start3A_6 = tpu.memref_slice %arg2[%mul3A_2] : memref<11280xi32, #tpu.memory_space<hbm>> -> memref<32xi32, #tpu.memory_space<hbm>>
    %dma_start3A_7 = tpu.memref_slice %arg2[%mul3A_2] : memref<11280xi32, #tpu.memory_space<hbm>> -> memref<32xi32, #tpu.memory_space<hbm>>
    tpu.enqueue_dma source(%dma_start3A_7 : memref<32xi32, #tpu.memory_space<hbm>>) target(%arg9 : memref<32xi32, #tpu.memory_space<vmem>>) target_semaphore(%arg18 : memref<!tpu.dma_semaphore, #tpu.memory_space<semaphore_mem>>)
    %add3A_8 = arith.constant 1024 : i32
    %add3A_9 = arith.addi %add3A_8, %mul3A_2 : i32
    %dma_start3A_10 = tpu.memref_slice %arg2[%add3A_9] : memref<11280xi32, #tpu.memory_space<hbm>> -> memref<32xi32, #tpu.memory_space<hbm>>
    %dma_start3A_11 = tpu.memref_slice %arg2[%add3A_9] : memref<11280xi32, #tpu.memory_space<hbm>> -> memref<32xi32, #tpu.memory_space<hbm>>
    tpu.enqueue_dma source(%dma_start3A_11 : memref<32xi32, #tpu.memory_space<hbm>>) target(%arg10 : memref<32xi32, #tpu.memory_space<vmem>>) target_semaphore(%arg18 : memref<!tpu.dma_semaphore, #tpu.memory_space<semaphore_mem>>)
    %mul3A_12 = arith.constant 5 : i32
    %mul3A_13 = arith.muli %mul3A_2, %mul3A_12 : i32
    %add3A_14 = arith.constant 2048 : i32
    %add3A_15 = arith.addi %add3A_14, %mul3A_13 : i32
    %dma_start3A_16 = tpu.memref_slice %arg2[%add3A_15] : memref<11280xi32, #tpu.memory_space<hbm>> -> memref<160xi32, #tpu.memory_space<hbm>>
    %dma_start3A_17 = tpu.memref_slice %arg2[%add3A_15] : memref<11280xi32, #tpu.memory_space<hbm>> -> memref<160xi32, #tpu.memory_space<hbm>>
    tpu.enqueue_dma source(%dma_start3A_17 : memref<160xi32, #tpu.memory_space<hbm>>) target(%arg11 : memref<160xi32, #tpu.memory_space<vmem>>) target_semaphore(%arg18 : memref<!tpu.dma_semaphore, #tpu.memory_space<semaphore_mem>>)
    %mul3A_18 = arith.constant 4 : i32
    %mul3A_19 = arith.muli %mul3A_2, %mul3A_18 : i32
    %add3A_20 = arith.constant 7168 : i32
    %add3A_21 = arith.addi %add3A_20, %mul3A_19 : i32
    %dma_start3A_22 = tpu.memref_slice %arg2[%add3A_21] : memref<11280xi32, #tpu.memory_space<hbm>> -> memref<128xi32, #tpu.memory_space<hbm>>
    %dma_start3A_23 = tpu.memref_slice %arg2[%add3A_21] : memref<11280xi32, #tpu.memory_space<hbm>> -> memref<128xi32, #tpu.memory_space<hbm>>
    tpu.enqueue_dma source(%dma_start3A_23 : memref<128xi32, #tpu.memory_space<hbm>>) target(%arg12 : memref<128xi32, #tpu.memory_space<vmem>>) target_semaphore(%arg18 : memref<!tpu.dma_semaphore, #tpu.memory_space<semaphore_mem>>)
    %dma_start3A_24 = arith.constant 0 : i32
    %dma_start3A_25 = tpu.memref_slice %arg3[%mul3A_2, %dma_start3A_24] : memref<1024x256xi32, #tpu.memory_space<hbm>> -> memref<32x256xi32, #tpu.memory_space<hbm>>
    %dma_start3A_26 = arith.constant 0 : i32
    %dma_start3A_27 = tpu.memref_slice %arg3[%mul3A_2, %dma_start3A_26] : memref<1024x256xi32, #tpu.memory_space<hbm>> -> memref<32x256xi32, #tpu.memory_space<hbm>>
    tpu.enqueue_dma source(%dma_start3A_27 : memref<32x256xi32, #tpu.memory_space<hbm>>) target(%arg13 : memref<32x256xi32, #tpu.memory_space<vmem>>) target_semaphore(%arg18 : memref<!tpu.dma_semaphore, #tpu.memory_space<semaphore_mem>>)
    %dma_wait3A = arith.constant 11264 : i32
    %dma_wait3A_28 = tpu.memref_slice %arg2[%dma_wait3A] : memref<11280xi32, #tpu.memory_space<hbm>> -> memref<16xi32, #tpu.memory_space<hbm>>
    %dma_wait3A_29 = arith.constant 11264 : i32
    %dma_wait3A_30 = tpu.memref_slice %arg2[%dma_wait3A_29] : memref<11280xi32, #tpu.memory_space<hbm>> -> memref<16xi32, #tpu.memory_space<hbm>>
    tpu.wait_dma2 semaphore(%arg18 : memref<!tpu.dma_semaphore, #tpu.memory_space<semaphore_mem>>) src(%dma_wait3A_30 : memref<16xi32, #tpu.memory_space<hbm>>) dst(%arg8 : memref<16xi32, #tpu.memory_space<vmem>>)
    %dma_wait3A_31 = tpu.memref_slice %arg2[%mul3A_2] : memref<11280xi32, #tpu.memory_space<hbm>> -> memref<32xi32, #tpu.memory_space<hbm>>
    %dma_wait3A_32 = tpu.memref_slice %arg2[%mul3A_2] : memref<11280xi32, #tpu.memory_space<hbm>> -> memref<32xi32, #tpu.memory_space<hbm>>
    tpu.wait_dma2 semaphore(%arg18 : memref<!tpu.dma_semaphore, #tpu.memory_space<semaphore_mem>>) src(%dma_wait3A_32 : memref<32xi32, #tpu.memory_space<hbm>>) dst(%arg9 : memref<32xi32, #tpu.memory_space<vmem>>)
    %dma_wait3A_33 = tpu.memref_slice %arg2[%add3A_9] : memref<11280xi32, #tpu.memory_space<hbm>> -> memref<32xi32, #tpu.memory_space<hbm>>
    %dma_wait3A_34 = tpu.memref_slice %arg2[%add3A_9] : memref<11280xi32, #tpu.memory_space<hbm>> -> memref<32xi32, #tpu.memory_space<hbm>>
    tpu.wait_dma2 semaphore(%arg18 : memref<!tpu.dma_semaphore, #tpu.memory_space<semaphore_mem>>) src(%dma_wait3A_34 : memref<32xi32, #tpu.memory_space<hbm>>) dst(%arg10 : memref<32xi32, #tpu.memory_space<vmem>>)
    %dma_wait3A_35 = tpu.memref_slice %arg2[%add3A_15] : memref<11280xi32, #tpu.memory_space<hbm>> -> memref<160xi32, #tpu.memory_space<hbm>>
    %dma_wait3A_36 = tpu.memref_slice %arg2[%add3A_15] : memref<11280xi32, #tpu.memory_space<hbm>> -> memref<160xi32, #tpu.memory_space<hbm>>
    tpu.wait_dma2 semaphore(%arg18 : memref<!tpu.dma_semaphore, #tpu.memory_space<semaphore_mem>>) src(%dma_wait3A_36 : memref<160xi32, #tpu.memory_space<hbm>>) dst(%arg11 : memref<160xi32, #tpu.memory_space<vmem>>)
    %dma_wait3A_37 = tpu.memref_slice %arg2[%add3A_21] : memref<11280xi32, #tpu.memory_space<hbm>> -> memref<128xi32, #tpu.memory_space<hbm>>
    %dma_wait3A_38 = tpu.memref_slice %arg2[%add3A_21] : memref<11280xi32, #tpu.memory_space<hbm>> -> memref<128xi32, #tpu.memory_space<hbm>>
    tpu.wait_dma2 semaphore(%arg18 : memref<!tpu.dma_semaphore, #tpu.memory_space<semaphore_mem>>) src(%dma_wait3A_38 : memref<128xi32, #tpu.memory_space<hbm>>) dst(%arg12 : memref<128xi32, #tpu.memory_space<vmem>>)
    %dma_wait3A_39 = arith.constant 0 : i32
    %dma_wait3A_40 = tpu.memref_slice %arg3[%mul3A_2, %dma_wait3A_39] : memref<1024x256xi32, #tpu.memory_space<hbm>> -> memref<32x256xi32, #tpu.memory_space<hbm>>
    %dma_wait3A_41 = arith.constant 0 : i32
    %dma_wait3A_42 = tpu.memref_slice %arg3[%mul3A_2, %dma_wait3A_41] : memref<1024x256xi32, #tpu.memory_space<hbm>> -> memref<32x256xi32, #tpu.memory_space<hbm>>
    tpu.wait_dma2 semaphore(%arg18 : memref<!tpu.dma_semaphore, #tpu.memory_space<semaphore_mem>>) src(%dma_wait3A_42 : memref<32x256xi32, #tpu.memory_space<hbm>>) dst(%arg13 : memref<32x256xi32, #tpu.memory_space<vmem>>)
    %iota3A = tpu.iota {dimensions = array<i32: 0>} : vector<16xi32>
    %get3A = arith.constant 0 : index
    %get3A_43 = tpu.vector_load %arg8[%get3A] {strides = array<i32>} : memref<16xi32, #tpu.memory_space<vmem>>, vector<16xi32>,
    %add3A_44 = arith.constant 0 : i32
    %add3A_45 = vector.broadcast %add3A_44 : i32 to vector<16xi32>
    %add3A_46 = arith.addi %iota3A, %add3A_45 : vector<16xi32>
    %div3A = arith.constant 5 : i32
    %div3A_47 = vector.broadcast %div3A : i32 to vector<16xi32>
    %div3A_48 = arith.divsi %add3A_46, %div3A_47 : vector<16xi32>
    %mul3A_49 = arith.constant 5 : i32
    %mul3A_50 = vector.broadcast %mul3A_49 : i32 to vector<16xi32>
    %mul3A_51 = arith.muli %div3A_48, %mul3A_50 : vector<16xi32>
    %sub3A = arith.subi %add3A_46, %mul3A_51 : vector<16xi32>
    %gather3A = tpu.vector_load_idx %arg10[%div3A_48] : memref<32xi32, #tpu.memory_space<vmem>>[vector<16xi32>], vector<16xi32>,
    %gather3A_52 = tpu.vector_load_idx %arg9[%div3A_48] : memref<32xi32, #tpu.memory_space<vmem>>[vector<16xi32>], vector<16xi32>,
    %add3A_53 = arith.addi %gather3A_52, %gather3A : vector<16xi32>
    %add3A_54 = arith.addi %add3A_53, %sub3A : vector<16xi32>
    %div3A_55 = arith.divsi %add3A_54, %get3A_43 : vector<16xi32>
    %gather3A_56 = tpu.vector_load_idx %arg13[%div3A_48, %div3A_55] : memref<32x256xi32, #tpu.memory_space<vmem>>[vector<16xi32>, vector<16xi32>], vector<16xi32>,
    %mul3A_57 = arith.muli %gather3A_56, %get3A_43 : vector<16xi32>
    %mul3A_58 = arith.muli %div3A_55, %get3A_43 : vector<16xi32>
    %sub3A_59 = arith.subi %add3A_54, %mul3A_58 : vector<16xi32>
    %add3A_60 = arith.addi %mul3A_57, %sub3A_59 : vector<16xi32>
    %mul3A_61 = arith.constant 5 : i32
    %mul3A_62 = vector.broadcast %mul3A_61 : i32 to vector<16xi32>
    %mul3A_63 = arith.muli %div3A_48, %mul3A_62 : vector<16xi32>
    %add3A_64 = arith.addi %mul3A_63, %gather3A : vector<16xi32>
    %sub3A_65 = arith.constant 1 : i32
    %sub3A_66 = vector.broadcast %sub3A_65 : i32 to vector<16xi32>
    %sub3A_67 = arith.subi %add3A_64, %sub3A_66 : vector<16xi32>
    %gather3A_68 = tpu.vector_load_idx %arg11[%sub3A_67] : memref<160xi32, #tpu.memory_space<vmem>>[vector<16xi32>], vector<16xi32>,
    %mul3A_69 = arith.constant 4 : i32
    %mul3A_70 = vector.broadcast %mul3A_69 : i32 to vector<16xi32>
    %mul3A_71 = arith.muli %div3A_48, %mul3A_70 : vector<16xi32>
    %sub3A_72 = arith.constant 1 : i32
    %sub3A_73 = vector.broadcast %sub3A_72 : i32 to vector<16xi32>
    %sub3A_74 = arith.subi %sub3A, %sub3A_73 : vector<16xi32>
    %max3A = arith.constant 0 : i32
    %max3A_75 = vector.broadcast %max3A : i32 to vector<16xi32>
    %max3A_76 = arith.maxsi %sub3A_74, %max3A_75 : vector<16xi32>
    %add3A_77 = arith.addi %mul3A_71, %max3A_76 : vector<16xi32>
    %gather3A_78 = tpu.vector_load_idx %arg12[%add3A_77] : memref<128xi32, #tpu.memory_space<vmem>>[vector<16xi32>], vector<16xi32>,
    %eq3A = arith.constant 0 : i32
    %eq3A_79 = vector.broadcast %eq3A : i32 to vector<16xi32>
    %eq3A_80 = arith.cmpi eq, %sub3A, %eq3A_79 : vector<16xi32>
    %select_n3A = arith.select %eq3A_80, %gather3A_68, %gather3A_78 : vector<16xi1>, vector<16xi32>
    %swap3A = arith.constant 0 : index
    %swap3A_81 = tpu.vector_load %arg14[%swap3A] {strides = array<i32>} : memref<160xi32, #tpu.memory_space<vmem>>, vector<16xi32>,
    tpu.vector_store %arg14[%swap3A], %select_n3A {strides = array<i32>} : memref<160xi32, #tpu.memory_space<vmem>>, vector<16xi32>,
    %swap3A_82 = arith.constant 0 : index
    %swap3A_83 = tpu.vector_load %arg15[%swap3A_82] {strides = array<i32>} : memref<160xi32, #tpu.memory_space<vmem>>, vector<16xi32>,
    tpu.vector_store %arg15[%swap3A_82], %add3A_54 {strides = array<i32>} : memref<160xi32, #tpu.memory_space<vmem>>, vector<16xi32>,
    %add3A_84 = arith.constant 1 : i32
    %add3A_85 = vector.broadcast %add3A_84 : i32 to vector<16xi32>
    %add3A_86 = arith.addi %add3A_54, %add3A_85 : vector<16xi32>
    %swap3A_87 = arith.constant 0 : index
    %swap3A_88 = tpu.vector_load %arg16[%swap3A_87] {strides = array<i32>} : memref<160xi32, #tpu.memory_space<vmem>>, vector<16xi32>,
    tpu.vector_store %arg16[%swap3A_87], %add3A_86 {strides = array<i32>} : memref<160xi32, #tpu.memory_space<vmem>>, vector<16xi32>,
    %swap3A_89 = arith.constant 0 : index
    %swap3A_90 = tpu.vector_load %arg17[%swap3A_89] {strides = array<i32>} : memref<160xi32, #tpu.memory_space<vmem>>, vector<16xi32>,
    tpu.vector_store %arg17[%swap3A_89], %add3A_60 {strides = array<i32>} : memref<160xi32, #tpu.memory_space<vmem>>, vector<16xi32>,
    %add3A_91 = arith.constant 16 : i32
    %add3A_92 = vector.broadcast %add3A_91 : i32 to vector<16xi32>
    %add3A_93 = arith.addi %iota3A, %add3A_92 : vector<16xi32>
    %div3A_94 = arith.constant 5 : i32
    %div3A_95 = vector.broadcast %div3A_94 : i32 to vector<16xi32>
    %div3A_96 = arith.divsi %add3A_93, %div3A_95 : vector<16xi32>
    %mul3A_97 = arith.constant 5 : i32
    %mul3A_98 = vector.broadcast %mul3A_97 : i32 to vector<16xi32>
    %mul3A_99 = arith.muli %div3A_96, %mul3A_98 : vector<16xi32>
    %sub3A_100 = arith.subi %add3A_93, %mul3A_99 : vector<16xi32>
    %gather3A_101 = tpu.vector_load_idx %arg10[%div3A_96] : memref<32xi32, #tpu.memory_space<vmem>>[vector<16xi32>], vector<16xi32>,
    %gather3A_102 = tpu.vector_load_idx %arg9[%div3A_96] : memref<32xi32, #tpu.memory_space<vmem>>[vector<16xi32>], vector<16xi32>,
    %add3A_103 = arith.addi %gather3A_102, %gather3A_101 : vector<16xi32>
    %add3A_104 = arith.addi %add3A_103, %sub3A_100 : vector<16xi32>
    %div3A_105 = arith.divsi %add3A_104, %get3A_43 : vector<16xi32>
    %gather3A_106 = tpu.vector_load_idx %arg13[%div3A_96, %div3A_105] : memref<32x256xi32, #tpu.memory_space<vmem>>[vector<16xi32>, vector<16xi32>], vector<16xi32>,
    %mul3A_107 = arith.muli %gather3A_106, %get3A_43 : vector<16xi32>
    %mul3A_108 = arith.muli %div3A_105, %get3A_43 : vector<16xi32>
    %sub3A_109 = arith.subi %add3A_104, %mul3A_108 : vector<16xi32>
    %add3A_110 = arith.addi %mul3A_107, %sub3A_109 : vector<16xi32>
    %mul3A_111 = arith.constant 5 : i32
    %mul3A_112 = vector.broadcast %mul3A_111 : i32 to vector<16xi32>
    %mul3A_113 = arith.muli %div3A_96, %mul3A_112 : vector<16xi32>
    %add3A_114 = arith.addi %mul3A_113, %gather3A_101 : vector<16xi32>
    %sub3A_115 = arith.constant 1 : i32
    %sub3A_116 = vector.broadcast %sub3A_115 : i32 to vector<16xi32>
    %sub3A_117 = arith.subi %add3A_114, %sub3A_116 : vector<16xi32>
    %gather3A_118 = tpu.vector_load_idx %arg11[%sub3A_117] : memref<160xi32, #tpu.memory_space<vmem>>[vector<16xi32>], vector<16xi32>,
    %mul3A_119 = arith.constant 4 : i32
    %mul3A_120 = vector.broadcast %mul3A_119 : i32 to vector<16xi32>
    %mul3A_121 = arith.muli %div3A_96, %mul3A_120 : vector<16xi32>
    %sub3A_122 = arith.constant 1 : i32
    %sub3A_123 = vector.broadcast %sub3A_122 : i32 to vector<16xi32>
    %sub3A_124 = arith.subi %sub3A_100, %sub3A_123 : vector<16xi32>
    %max3A_125 = arith.constant 0 : i32
    %max3A_126 = vector.broadcast %max3A_125 : i32 to vector<16xi32>
    %max3A_127 = arith.maxsi %sub3A_124, %max3A_126 : vector<16xi32>
    %add3A_128 = arith.addi %mul3A_121, %max3A_127 : vector<16xi32>
    %gather3A_129 = tpu.vector_load_idx %arg12[%add3A_128] : memref<128xi32, #tpu.memory_space<vmem>>[vector<16xi32>], vector<16xi32>,
    %eq3A_130 = arith.constant 0 : i32
    %eq3A_131 = vector.broadcast %eq3A_130 : i32 to vector<16xi32>
    %eq3A_132 = arith.cmpi eq, %sub3A_100, %eq3A_131 : vector<16xi32>
    %select_n3A_133 = arith.select %eq3A_132, %gather3A_118, %gather3A_129 : vector<16xi1>, vector<16xi32>
    %swap3A_134 = arith.constant 16 : index
    %swap3A_135 = tpu.vector_load %arg14[%swap3A_134] {strides = array<i32>} : memref<160xi32, #tpu.memory_space<vmem>>, vector<16xi32>,
    tpu.vector_store %arg14[%swap3A_134], %select_n3A_133 {strides = array<i32>} : memref<160xi32, #tpu.memory_space<vmem>>, vector<16xi32>,
    %swap3A_136 = arith.constant 16 : index
    %swap3A_137 = tpu.vector_load %arg15[%swap3A_136] {strides = array<i32>} : memref<160xi32, #tpu.memory_space<vmem>>, vector<16xi32>,
    tpu.vector_store %arg15[%swap3A_136], %add3A_104 {strides = array<i32>} : memref<160xi32, #tpu.memory_space<vmem>>, vector<16xi32>,
    %add3A_138 = arith.constant 1 : i32
    %add3A_139 = vector.broadcast %add3A_138 : i32 to vector<16xi32>
    %add3A_140 = arith.addi %add3A_104, %add3A_139 : vector<16xi32>
    %swap3A_141 = arith.constant 16 : index
    %swap3A_142 = tpu.vector_load %arg16[%swap3A_141] {strides = array<i32>} : memref<160xi32, #tpu.memory_space<vmem>>, vector<16xi32>,
    tpu.vector_store %arg16[%swap3A_141], %add3A_140 {strides = array<i32>} : memref<160xi32, #tpu.memory_space<vmem>>, vector<16xi32>,
    %swap3A_143 = arith.constant 16 : index
    %swap3A_144 = tpu.vector_load %arg17[%swap3A_143] {strides = array<i32>} : memref<160xi32, #tpu.memory_space<vmem>>, vector<16xi32>,
    tpu.vector_store %arg17[%swap3A_143], %add3A_110 {strides = array<i32>} : memref<160xi32, #tpu.memory_space<vmem>>, vector<16xi32>,
    %add3A_145 = arith.constant 32 : i32
    %add3A_146 = vector.broadcast %add3A_145 : i32 to vector<16xi32>
    %add3A_147 = arith.addi %iota3A, %add3A_146 : vector<16xi32>
    %div3A_148 = arith.constant 5 : i32
    %div3A_149 = vector.broadcast %div3A_148 : i32 to vector<16xi32>
    %div3A_150 = arith.divsi %add3A_147, %div3A_149 : vector<16xi32>
    %mul3A_151 = arith.constant 5 : i32
    %mul3A_152 = vector.broadcast %mul3A_151 : i32 to vector<16xi32>
    %mul3A_153 = arith.muli %div3A_150, %mul3A_152 : vector<16xi32>
    %sub3A_154 = arith.subi %add3A_147, %mul3A_153 : vector<16xi32>
    %gather3A_155 = tpu.vector_load_idx %arg10[%div3A_150] : memref<32xi32, #tpu.memory_space<vmem>>[vector<16xi32>], vector<16xi32>,
    %gather3A_156 = tpu.vector_load_idx %arg9[%div3A_150] : memref<32xi32, #tpu.memory_space<vmem>>[vector<16xi32>], vector<16xi32>,
    %add3A_157 = arith.addi %gather3A_156, %gather3A_155 : vector<16xi32>
    %add3A_158 = arith.addi %add3A_157, %sub3A_154 : vector<16xi32>
    %div3A_159 = arith.divsi %add3A_158, %get3A_43 : vector<16xi32>
    %gather3A_160 = tpu.vector_load_idx %arg13[%div3A_150, %div3A_159] : memref<32x256xi32, #tpu.memory_space<vmem>>[vector<16xi32>, vector<16xi32>], vector<16xi32>,
    %mul3A_161 = arith.muli %gather3A_160, %get3A_43 : vector<16xi32>
    %mul3A_162 = arith.muli %div3A_159, %get3A_43 : vector<16xi32>
    %sub3A_163 = arith.subi %add3A_158, %mul3A_162 : vector<16xi32>
    %add3A_164 = arith.addi %mul3A_161, %sub3A_163 : vector<16xi32>
    %mul3A_165 = arith.constant 5 : i32
    %mul3A_166 = vector.broadcast %mul3A_165 : i32 to vector<16xi32>
    %mul3A_167 = arith.muli %div3A_150, %mul3A_166 : vector<16xi32>
    %add3A_168 = arith.addi %mul3A_167, %gather3A_155 : vector<16xi32>
    %sub3A_169 = arith.constant 1 : i32
    %sub3A_170 = vector.broadcast %sub3A_169 : i32 to vector<16xi32>
    %sub3A_171 = arith.subi %add3A_168, %sub3A_170 : vector<16xi32>
    %gather3A_172 = tpu.vector_load_idx %arg11[%sub3A_171] : memref<160xi32, #tpu.memory_space<vmem>>[vector<16xi32>], vector<16xi32>,
    %mul3A_173 = arith.constant 4 : i32
    %mul3A_174 = vector.broadcast %mul3A_173 : i32 to vector<16xi32>
    %mul3A_175 = arith.muli %div3A_150, %mul3A_174 : vector<16xi32>
    %sub3A_176 = arith.constant 1 : i32
    %sub3A_177 = vector.broadcast %sub3A_176 : i32 to vector<16xi32>
    %sub3A_178 = arith.subi %sub3A_154, %sub3A_177 : vector<16xi32>
    %max3A_179 = arith.constant 0 : i32
    %max3A_180 = vector.broadcast %max3A_179 : i32 to vector<16xi32>
    %max3A_181 = arith.maxsi %sub3A_178, %max3A_180 : vector<16xi32>
    %add3A_182 = arith.addi %mul3A_175, %max3A_181 : vector<16xi32>
    %gather3A_183 = tpu.vector_load_idx %arg12[%add3A_182] : memref<128xi32, #tpu.memory_space<vmem>>[vector<16xi32>], vector<16xi32>,
    %eq3A_184 = arith.constant 0 : i32
    %eq3A_185 = vector.broadcast %eq3A_184 : i32 to vector<16xi32>
    %eq3A_186 = arith.cmpi eq, %sub3A_154, %eq3A_185 : vector<16xi32>
    %select_n3A_187 = arith.select %eq3A_186, %gather3A_172, %gather3A_183 : vector<16xi1>, vector<16xi32>
    %swap3A_188 = arith.constant 32 : index
    %swap3A_189 = tpu.vector_load %arg14[%swap3A_188] {strides = array<i32>} : memref<160xi32, #tpu.memory_space<vmem>>, vector<16xi32>,
    tpu.vector_store %arg14[%swap3A_188], %select_n3A_187 {strides = array<i32>} : memref<160xi32, #tpu.memory_space<vmem>>, vector<16xi32>,
    %swap3A_190 = arith.constant 32 : index
    %swap3A_191 = tpu.vector_load %arg15[%swap3A_190] {strides = array<i32>} : memref<160xi32, #tpu.memory_space<vmem>>, vector<16xi32>,
    tpu.vector_store %arg15[%swap3A_190], %add3A_158 {strides = array<i32>} : memref<160xi32, #tpu.memory_space<vmem>>, vector<16xi32>,
    %add3A_192 = arith.constant 1 : i32
    %add3A_193 = vector.broadcast %add3A_192 : i32 to vector<16xi32>
    %add3A_194 = arith.addi %add3A_158, %add3A_193 : vector<16xi32>
    %swap3A_195 = arith.constant 32 : index
    %swap3A_196 = tpu.vector_load %arg16[%swap3A_195] {strides = array<i32>} : memref<160xi32, #tpu.memory_space<vmem>>, vector<16xi32>,
    tpu.vector_store %arg16[%swap3A_195], %add3A_194 {strides = array<i32>} : memref<160xi32, #tpu.memory_space<vmem>>, vector<16xi32>,
    %swap3A_197 = arith.constant 32 : index
    %swap3A_198 = tpu.vector_load %arg17[%swap3A_197] {strides = array<i32>} : memref<160xi32, #tpu.memory_space<vmem>>, vector<16xi32>,
    tpu.vector_store %arg17[%swap3A_197], %add3A_164 {strides = array<i32>} : memref<160xi32, #tpu.memory_space<vmem>>, vector<16xi32>,
    %add3A_199 = arith.constant 48 : i32
    %add3A_200 = vector.broadcast %add3A_199 : i32 to vector<16xi32>
    %add3A_201 = arith.addi %iota3A, %add3A_200 : vector<16xi32>
    %div3A_202 = arith.constant 5 : i32
    %div3A_203 = vector.broadcast %div3A_202 : i32 to vector<16xi32>
    %div3A_204 = arith.divsi %add3A_201, %div3A_203 : vector<16xi32>
    %mul3A_205 = arith.constant 5 : i32
    %mul3A_206 = vector.broadcast %mul3A_205 : i32 to vector<16xi32>
    %mul3A_207 = arith.muli %div3A_204, %mul3A_206 : vector<16xi32>
    %sub3A_208 = arith.subi %add3A_201, %mul3A_207 : vector<16xi32>
    %gather3A_209 = tpu.vector_load_idx %arg10[%div3A_204] : memref<32xi32, #tpu.memory_space<vmem>>[vector<16xi32>], vector<16xi32>,
    %gather3A_210 = tpu.vector_load_idx %arg9[%div3A_204] : memref<32xi32, #tpu.memory_space<vmem>>[vector<16xi32>], vector<16xi32>,
    %add3A_211 = arith.addi %gather3A_210, %gather3A_209 : vector<16xi32>
    %add3A_212 = arith.addi %add3A_211, %sub3A_208 : vector<16xi32>
    %div3A_213 = arith.divsi %add3A_212, %get3A_43 : vector<16xi32>
    %gather3A_214 = tpu.vector_load_idx %arg13[%div3A_204, %div3A_213] : memref<32x256xi32, #tpu.memory_space<vmem>>[vector<16xi32>, vector<16xi32>], vector<16xi32>,
    %mul3A_215 = arith.muli %gather3A_214, %get3A_43 : vector<16xi32>
    %mul3A_216 = arith.muli %div3A_213, %get3A_43 : vector<16xi32>
    %sub3A_217 = arith.subi %add3A_212, %mul3A_216 : vector<16xi32>
    %add3A_218 = arith.addi %mul3A_215, %sub3A_217 : vector<16xi32>
    %mul3A_219 = arith.constant 5 : i32
    %mul3A_220 = vector.broadcast %mul3A_219 : i32 to vector<16xi32>
    %mul3A_221 = arith.muli %div3A_204, %mul3A_220 : vector<16xi32>
    %add3A_222 = arith.addi %mul3A_221, %gather3A_209 : vector<16xi32>
    %sub3A_223 = arith.constant 1 : i32
    %sub3A_224 = vector.broadcast %sub3A_223 : i32 to vector<16xi32>
    %sub3A_225 = arith.subi %add3A_222, %sub3A_224 : vector<16xi32>
    %gather3A_226 = tpu.vector_load_idx %arg11[%sub3A_225] : memref<160xi32, #tpu.memory_space<vmem>>[vector<16xi32>], vector<16xi32>,
    %mul3A_227 = arith.constant 4 : i32
    %mul3A_228 = vector.broadcast %mul3A_227 : i32 to vector<16xi32>
    %mul3A_229 = arith.muli %div3A_204, %mul3A_228 : vector<16xi32>
    %sub3A_230 = arith.constant 1 : i32
    %sub3A_231 = vector.broadcast %sub3A_230 : i32 to vector<16xi32>
    %sub3A_232 = arith.subi %sub3A_208, %sub3A_231 : vector<16xi32>
    %max3A_233 = arith.constant 0 : i32
    %max3A_234 = vector.broadcast %max3A_233 : i32 to vector<16xi32>
    %max3A_235 = arith.maxsi %sub3A_232, %max3A_234 : vector<16xi32>
    %add3A_236 = arith.addi %mul3A_229, %max3A_235 : vector<16xi32>
    %gather3A_237 = tpu.vector_load_idx %arg12[%add3A_236] : memref<128xi32, #tpu.memory_space<vmem>>[vector<16xi32>], vector<16xi32>,
    %eq3A_238 = arith.constant 0 : i32
    %eq3A_239 = vector.broadcast %eq3A_238 : i32 to vector<16xi32>
    %eq3A_240 = arith.cmpi eq, %sub3A_208, %eq3A_239 : vector<16xi32>
    %select_n3A_241 = arith.select %eq3A_240, %gather3A_226, %gather3A_237 : vector<16xi1>, vector<16xi32>
    %swap3A_242 = arith.constant 48 : index
    %swap3A_243 = tpu.vector_load %arg14[%swap3A_242] {strides = array<i32>} : memref<160xi32, #tpu.memory_space<vmem>>, vector<16xi32>,
    tpu.vector_store %arg14[%swap3A_242], %select_n3A_241 {strides = array<i32>} : memref<160xi32, #tpu.memory_space<vmem>>, vector<16xi32>,
    %swap3A_244 = arith.constant 48 : index
    %swap3A_245 = tpu.vector_load %arg15[%swap3A_244] {strides = array<i32>} : memref<160xi32, #tpu.memory_space<vmem>>, vector<16xi32>,
    tpu.vector_store %arg15[%swap3A_244], %add3A_212 {strides = array<i32>} : memref<160xi32, #tpu.memory_space<vmem>>, vector<16xi32>,
    %add3A_246 = arith.constant 1 : i32
    %add3A_247 = vector.broadcast %add3A_246 : i32 to vector<16xi32>
    %add3A_248 = arith.addi %add3A_212, %add3A_247 : vector<16xi32>
    %swap3A_249 = arith.constant 48 : index
    %swap3A_250 = tpu.vector_load %arg16[%swap3A_249] {strides = array<i32>} : memref<160xi32, #tpu.memory_space<vmem>>, vector<16xi32>,
    tpu.vector_store %arg16[%swap3A_249], %add3A_248 {strides = array<i32>} : memref<160xi32, #tpu.memory_space<vmem>>, vector<16xi32>,
    %swap3A_251 = arith.constant 48 : index
    %swap3A_252 = tpu.vector_load %arg17[%swap3A_251] {strides = array<i32>} : memref<160xi32, #tpu.memory_space<vmem>>, vector<16xi32>,
    tpu.vector_store %arg17[%swap3A_251], %add3A_218 {strides = array<i32>} : memref<160xi32, #tpu.memory_space<vmem>>, vector<16xi32>,
    %add3A_253 = arith.constant 64 : i32
    %add3A_254 = vector.broadcast %add3A_253 : i32 to vector<16xi32>
    %add3A_255 = arith.addi %iota3A, %add3A_254 : vector<16xi32>
    %div3A_256 = arith.constant 5 : i32
    %div3A_257 = vector.broadcast %div3A_256 : i32 to vector<16xi32>
    %div3A_258 = arith.divsi %add3A_255, %div3A_257 : vector<16xi32>
    %mul3A_259 = arith.constant 5 : i32
    %mul3A_260 = vector.broadcast %mul3A_259 : i32 to vector<16xi32>
    %mul3A_261 = arith.muli %div3A_258, %mul3A_260 : vector<16xi32>
    %sub3A_262 = arith.subi %add3A_255, %mul3A_261 : vector<16xi32>
    %gather3A_263 = tpu.vector_load_idx %arg10[%div3A_258] : memref<32xi32, #tpu.memory_space<vmem>>[vector<16xi32>], vector<16xi32>,
    %gather3A_264 = tpu.vector_load_idx %arg9[%div3A_258] : memref<32xi32, #tpu.memory_space<vmem>>[vector<16xi32>], vector<16xi32>,
    %add3A_265 = arith.addi %gather3A_264, %gather3A_263 : vector<16xi32>
    %add3A_266 = arith.addi %add3A_265, %sub3A_262 : vector<16xi32>
    %div3A_267 = arith.divsi %add3A_266, %get3A_43 : vector<16xi32>
    %gather3A_268 = tpu.vector_load_idx %arg13[%div3A_258, %div3A_267] : memref<32x256xi32, #tpu.memory_space<vmem>>[vector<16xi32>, vector<16xi32>], vector<16xi32>,
    %mul3A_269 = arith.muli %gather3A_268, %get3A_43 : vector<16xi32>
    %mul3A_270 = arith.muli %div3A_267, %get3A_43 : vector<16xi32>
    %sub3A_271 = arith.subi %add3A_266, %mul3A_270 : vector<16xi32>
    %add3A_272 = arith.addi %mul3A_269, %sub3A_271 : vector<16xi32>
    %mul3A_273 = arith.constant 5 : i32
    %mul3A_274 = vector.broadcast %mul3A_273 : i32 to vector<16xi32>
    %mul3A_275 = arith.muli %div3A_258, %mul3A_274 : vector<16xi32>
    %add3A_276 = arith.addi %mul3A_275, %gather3A_263 : vector<16xi32>
    %sub3A_277 = arith.constant 1 : i32
    %sub3A_278 = vector.broadcast %sub3A_277 : i32 to vector<16xi32>
    %sub3A_279 = arith.subi %add3A_276, %sub3A_278 : vector<16xi32>
    %gather3A_280 = tpu.vector_load_idx %arg11[%sub3A_279] : memref<160xi32, #tpu.memory_space<vmem>>[vector<16xi32>], vector<16xi32>,
    %mul3A_281 = arith.constant 4 : i32
    %mul3A_282 = vector.broadcast %mul3A_281 : i32 to vector<16xi32>
    %mul3A_283 = arith.muli %div3A_258, %mul3A_282 : vector<16xi32>
    %sub3A_284 = arith.constant 1 : i32
    %sub3A_285 = vector.broadcast %sub3A_284 : i32 to vector<16xi32>
    %sub3A_286 = arith.subi %sub3A_262, %sub3A_285 : vector<16xi32>
    %max3A_287 = arith.constant 0 : i32
    %max3A_288 = vector.broadcast %max3A_287 : i32 to vector<16xi32>
    %max3A_289 = arith.maxsi %sub3A_286, %max3A_288 : vector<16xi32>
    %add3A_290 = arith.addi %mul3A_283, %max3A_289 : vector<16xi32>
    %gather3A_291 = tpu.vector_load_idx %arg12[%add3A_290] : memref<128xi32, #tpu.memory_space<vmem>>[vector<16xi32>], vector<16xi32>,
    %eq3A_292 = arith.constant 0 : i32
    %eq3A_293 = vector.broadcast %eq3A_292 : i32 to vector<16xi32>
    %eq3A_294 = arith.cmpi eq, %sub3A_262, %eq3A_293 : vector<16xi32>
    %select_n3A_295 = arith.select %eq3A_294, %gather3A_280, %gather3A_291 : vector<16xi1>, vector<16xi32>
    %swap3A_296 = arith.constant 64 : index
    %swap3A_297 = tpu.vector_load %arg14[%swap3A_296] {strides = array<i32>} : memref<160xi32, #tpu.memory_space<vmem>>, vector<16xi32>,
    tpu.vector_store %arg14[%swap3A_296], %select_n3A_295 {strides = array<i32>} : memref<160xi32, #tpu.memory_space<vmem>>, vector<16xi32>,
    %swap3A_298 = arith.constant 64 : index
    %swap3A_299 = tpu.vector_load %arg15[%swap3A_298] {strides = array<i32>} : memref<160xi32, #tpu.memory_space<vmem>>, vector<16xi32>,
    tpu.vector_store %arg15[%swap3A_298], %add3A_266 {strides = array<i32>} : memref<160xi32, #tpu.memory_space<vmem>>, vector<16xi32>,
    %add3A_300 = arith.constant 1 : i32
    %add3A_301 = vector.broadcast %add3A_300 : i32 to vector<16xi32>
    %add3A_302 = arith.addi %add3A_266, %add3A_301 : vector<16xi32>
    %swap3A_303 = arith.constant 64 : index
    %swap3A_304 = tpu.vector_load %arg16[%swap3A_303] {strides = array<i32>} : memref<160xi32, #tpu.memory_space<vmem>>, vector<16xi32>,
    tpu.vector_store %arg16[%swap3A_303], %add3A_302 {strides = array<i32>} : memref<160xi32, #tpu.memory_space<vmem>>, vector<16xi32>,
    %swap3A_305 = arith.constant 64 : index
    %swap3A_306 = tpu.vector_load %arg17[%swap3A_305] {strides = array<i32>} : memref<160xi32, #tpu.memory_space<vmem>>, vector<16xi32>,
    tpu.vector_store %arg17[%swap3A_305], %add3A_272 {strides = array<i32>} : memref<160xi32, #tpu.memory_space<vmem>>, vector<16xi32>,
    %add3A_307 = arith.constant 80 : i32
    %add3A_308 = vector.broadcast %add3A_307 : i32 to vector<16xi32>
    %add3A_309 = arith.addi %iota3A, %add3A_308 : vector<16xi32>
    %div3A_310 = arith.constant 5 : i32
    %div3A_311 = vector.broadcast %div3A_310 : i32 to vector<16xi32>
    %div3A_312 = arith.divsi %add3A_309, %div3A_311 : vector<16xi32>
    %mul3A_313 = arith.constant 5 : i32
    %mul3A_314 = vector.broadcast %mul3A_313 : i32 to vector<16xi32>
    %mul3A_315 = arith.muli %div3A_312, %mul3A_314 : vector<16xi32>
    %sub3A_316 = arith.subi %add3A_309, %mul3A_315 : vector<16xi32>
    %gather3A_317 = tpu.vector_load_idx %arg10[%div3A_312] : memref<32xi32, #tpu.memory_space<vmem>>[vector<16xi32>], vector<16xi32>,
    %gather3A_318 = tpu.vector_load_idx %arg9[%div3A_312] : memref<32xi32, #tpu.memory_space<vmem>>[vector<16xi32>], vector<16xi32>,
    %add3A_319 = arith.addi %gather3A_318, %gather3A_317 : vector<16xi32>
    %add3A_320 = arith.addi %add3A_319, %sub3A_316 : vector<16xi32>
    %div3A_321 = arith.divsi %add3A_320, %get3A_43 : vector<16xi32>
    %gather3A_322 = tpu.vector_load_idx %arg13[%div3A_312, %div3A_321] : memref<32x256xi32, #tpu.memory_space<vmem>>[vector<16xi32>, vector<16xi32>], vector<16xi32>,
    %mul3A_323 = arith.muli %gather3A_322, %get3A_43 : vector<16xi32>
    %mul3A_324 = arith.muli %div3A_321, %get3A_43 : vector<16xi32>
    %sub3A_325 = arith.subi %add3A_320, %mul3A_324 : vector<16xi32>
    %add3A_326 = arith.addi %mul3A_323, %sub3A_325 : vector<16xi32>
    %mul3A_327 = arith.constant 5 : i32
    %mul3A_328 = vector.broadcast %mul3A_327 : i32 to vector<16xi32>
    %mul3A_329 = arith.muli %div3A_312, %mul3A_328 : vector<16xi32>
    %add3A_330 = arith.addi %mul3A_329, %gather3A_317 : vector<16xi32>
    %sub3A_331 = arith.constant 1 : i32
    %sub3A_332 = vector.broadcast %sub3A_331 : i32 to vector<16xi32>
    %sub3A_333 = arith.subi %add3A_330, %sub3A_332 : vector<16xi32>
    %gather3A_334 = tpu.vector_load_idx %arg11[%sub3A_333] : memref<160xi32, #tpu.memory_space<vmem>>[vector<16xi32>], vector<16xi32>,
    %mul3A_335 = arith.constant 4 : i32
    %mul3A_336 = vector.broadcast %mul3A_335 : i32 to vector<16xi32>
    %mul3A_337 = arith.muli %div3A_312, %mul3A_336 : vector<16xi32>
    %sub3A_338 = arith.constant 1 : i32
    %sub3A_339 = vector.broadcast %sub3A_338 : i32 to vector<16xi32>
    %sub3A_340 = arith.subi %sub3A_316, %sub3A_339 : vector<16xi32>
    %max3A_341 = arith.constant 0 : i32
    %max3A_342 = vector.broadcast %max3A_341 : i32 to vector<16xi32>
    %max3A_343 = arith.maxsi %sub3A_340, %max3A_342 : vector<16xi32>
    %add3A_344 = arith.addi %mul3A_337, %max3A_343 : vector<16xi32>
    %gather3A_345 = tpu.vector_load_idx %arg12[%add3A_344] : memref<128xi32, #tpu.memory_space<vmem>>[vector<16xi32>], vector<16xi32>,
    %eq3A_346 = arith.constant 0 : i32
    %eq3A_347 = vector.broadcast %eq3A_346 : i32 to vector<16xi32>
    %eq3A_348 = arith.cmpi eq, %sub3A_316, %eq3A_347 : vector<16xi32>
    %select_n3A_349 = arith.select %eq3A_348, %gather3A_334, %gather3A_345 : vector<16xi1>, vector<16xi32>
    %swap3A_350 = arith.constant 80 : index
    %swap3A_351 = tpu.vector_load %arg14[%swap3A_350] {strides = array<i32>} : memref<160xi32, #tpu.memory_space<vmem>>, vector<16xi32>,
    tpu.vector_store %arg14[%swap3A_350], %select_n3A_349 {strides = array<i32>} : memref<160xi32, #tpu.memory_space<vmem>>, vector<16xi32>,
    %swap3A_352 = arith.constant 80 : index
    %swap3A_353 = tpu.vector_load %arg15[%swap3A_352] {strides = array<i32>} : memref<160xi32, #tpu.memory_space<vmem>>, vector<16xi32>,
    tpu.vector_store %arg15[%swap3A_352], %add3A_320 {strides = array<i32>} : memref<160xi32, #tpu.memory_space<vmem>>, vector<16xi32>,
    %add3A_354 = arith.constant 1 : i32
    %add3A_355 = vector.broadcast %add3A_354 : i32 to vector<16xi32>
    %add3A_356 = arith.addi %add3A_320, %add3A_355 : vector<16xi32>
    %swap3A_357 = arith.constant 80 : index
    %swap3A_358 = tpu.vector_load %arg16[%swap3A_357] {strides = array<i32>} : memref<160xi32, #tpu.memory_space<vmem>>, vector<16xi32>,
    tpu.vector_store %arg16[%swap3A_357], %add3A_356 {strides = array<i32>} : memref<160xi32, #tpu.memory_space<vmem>>, vector<16xi32>,
    %swap3A_359 = arith.constant 80 : index
    %swap3A_360 = tpu.vector_load %arg17[%swap3A_359] {strides = array<i32>} : memref<160xi32, #tpu.memory_space<vmem>>, vector<16xi32>,
    tpu.vector_store %arg17[%swap3A_359], %add3A_326 {strides = array<i32>} : memref<160xi32, #tpu.memory_space<vmem>>, vector<16xi32>,
    %add3A_361 = arith.constant 96 : i32
    %add3A_362 = vector.broadcast %add3A_361 : i32 to vector<16xi32>
    %add3A_363 = arith.addi %iota3A, %add3A_362 : vector<16xi32>
    %div3A_364 = arith.constant 5 : i32
    %div3A_365 = vector.broadcast %div3A_364 : i32 to vector<16xi32>
    %div3A_366 = arith.divsi %add3A_363, %div3A_365 : vector<16xi32>
    %mul3A_367 = arith.constant 5 : i32
    %mul3A_368 = vector.broadcast %mul3A_367 : i32 to vector<16xi32>
    %mul3A_369 = arith.muli %div3A_366, %mul3A_368 : vector<16xi32>
    %sub3A_370 = arith.subi %add3A_363, %mul3A_369 : vector<16xi32>
    %gather3A_371 = tpu.vector_load_idx %arg10[%div3A_366] : memref<32xi32, #tpu.memory_space<vmem>>[vector<16xi32>], vector<16xi32>,
    %gather3A_372 = tpu.vector_load_idx %arg9[%div3A_366] : memref<32xi32, #tpu.memory_space<vmem>>[vector<16xi32>], vector<16xi32>,
    %add3A_373 = arith.addi %gather3A_372, %gather3A_371 : vector<16xi32>
    %add3A_374 = arith.addi %add3A_373, %sub3A_370 : vector<16xi32>
    %div3A_375 = arith.divsi %add3A_374, %get3A_43 : vector<16xi32>
    %gather3A_376 = tpu.vector_load_idx %arg13[%div3A_366, %div3A_375] : memref<32x256xi32, #tpu.memory_space<vmem>>[vector<16xi32>, vector<16xi32>], vector<16xi32>,
    %mul3A_377 = arith.muli %gather3A_376, %get3A_43 : vector<16xi32>
    %mul3A_378 = arith.muli %div3A_375, %get3A_43 : vector<16xi32>
    %sub3A_379 = arith.subi %add3A_374, %mul3A_378 : vector<16xi32>
    %add3A_380 = arith.addi %mul3A_377, %sub3A_379 : vector<16xi32>
    %mul3A_381 = arith.constant 5 : i32
    %mul3A_382 = vector.broadcast %mul3A_381 : i32 to vector<16xi32>
    %mul3A_383 = arith.muli %div3A_366, %mul3A_382 : vector<16xi32>
    %add3A_384 = arith.addi %mul3A_383, %gather3A_371 : vector<16xi32>
    %sub3A_385 = arith.constant 1 : i32
    %sub3A_386 = vector.broadcast %sub3A_385 : i32 to vector<16xi32>
    %sub3A_387 = arith.subi %add3A_384, %sub3A_386 : vector<16xi32>
    %gather3A_388 = tpu.vector_load_idx %arg11[%sub3A_387] : memref<160xi32, #tpu.memory_space<vmem>>[vector<16xi32>], vector<16xi32>,
    %mul3A_389 = arith.constant 4 : i32
    %mul3A_390 = vector.broadcast %mul3A_389 : i32 to vector<16xi32>
    %mul3A_391 = arith.muli %div3A_366, %mul3A_390 : vector<16xi32>
    %sub3A_392 = arith.constant 1 : i32
    %sub3A_393 = vector.broadcast %sub3A_392 : i32 to vector<16xi32>
    %sub3A_394 = arith.subi %sub3A_370, %sub3A_393 : vector<16xi32>
    %max3A_395 = arith.constant 0 : i32
    %max3A_396 = vector.broadcast %max3A_395 : i32 to vector<16xi32>
    %max3A_397 = arith.maxsi %sub3A_394, %max3A_396 : vector<16xi32>
    %add3A_398 = arith.addi %mul3A_391, %max3A_397 : vector<16xi32>
    %gather3A_399 = tpu.vector_load_idx %arg12[%add3A_398] : memref<128xi32, #tpu.memory_space<vmem>>[vector<16xi32>], vector<16xi32>,
    %eq3A_400 = arith.constant 0 : i32
    %eq3A_401 = vector.broadcast %eq3A_400 : i32 to vector<16xi32>
    %eq3A_402 = arith.cmpi eq, %sub3A_370, %eq3A_401 : vector<16xi32>
    %select_n3A_403 = arith.select %eq3A_402, %gather3A_388, %gather3A_399 : vector<16xi1>, vector<16xi32>
    %swap3A_404 = arith.constant 96 : index
    %swap3A_405 = tpu.vector_load %arg14[%swap3A_404] {strides = array<i32>} : memref<160xi32, #tpu.memory_space<vmem>>, vector<16xi32>,
    tpu.vector_store %arg14[%swap3A_404], %select_n3A_403 {strides = array<i32>} : memref<160xi32, #tpu.memory_space<vmem>>, vector<16xi32>,
    %swap3A_406 = arith.constant 96 : index
    %swap3A_407 = tpu.vector_load %arg15[%swap3A_406] {strides = array<i32>} : memref<160xi32, #tpu.memory_space<vmem>>, vector<16xi32>,
    tpu.vector_store %arg15[%swap3A_406], %add3A_374 {strides = array<i32>} : memref<160xi32, #tpu.memory_space<vmem>>, vector<16xi32>,
    %add3A_408 = arith.constant 1 : i32
    %add3A_409 = vector.broadcast %add3A_408 : i32 to vector<16xi32>
    %add3A_410 = arith.addi %add3A_374, %add3A_409 : vector<16xi32>
    %swap3A_411 = arith.constant 96 : index
    %swap3A_412 = tpu.vector_load %arg16[%swap3A_411] {strides = array<i32>} : memref<160xi32, #tpu.memory_space<vmem>>, vector<16xi32>,
    tpu.vector_store %arg16[%swap3A_411], %add3A_410 {strides = array<i32>} : memref<160xi32, #tpu.memory_space<vmem>>, vector<16xi32>,
    %swap3A_413 = arith.constant 96 : index
    %swap3A_414 = tpu.vector_load %arg17[%swap3A_413] {strides = array<i32>} : memref<160xi32, #tpu.memory_space<vmem>>, vector<16xi32>,
    tpu.vector_store %arg17[%swap3A_413], %add3A_380 {strides = array<i32>} : memref<160xi32, #tpu.memory_space<vmem>>, vector<16xi32>,
    %add3A_415 = arith.constant 112 : i32
    %add3A_416 = vector.broadcast %add3A_415 : i32 to vector<16xi32>
    %add3A_417 = arith.addi %iota3A, %add3A_416 : vector<16xi32>
    %div3A_418 = arith.constant 5 : i32
    %div3A_419 = vector.broadcast %div3A_418 : i32 to vector<16xi32>
    %div3A_420 = arith.divsi %add3A_417, %div3A_419 : vector<16xi32>
    %mul3A_421 = arith.constant 5 : i32
    %mul3A_422 = vector.broadcast %mul3A_421 : i32 to vector<16xi32>
    %mul3A_423 = arith.muli %div3A_420, %mul3A_422 : vector<16xi32>
    %sub3A_424 = arith.subi %add3A_417, %mul3A_423 : vector<16xi32>
    %gather3A_425 = tpu.vector_load_idx %arg10[%div3A_420] : memref<32xi32, #tpu.memory_space<vmem>>[vector<16xi32>], vector<16xi32>,
    %gather3A_426 = tpu.vector_load_idx %arg9[%div3A_420] : memref<32xi32, #tpu.memory_space<vmem>>[vector<16xi32>], vector<16xi32>,
    %add3A_427 = arith.addi %gather3A_426, %gather3A_425 : vector<16xi32>
    %add3A_428 = arith.addi %add3A_427, %sub3A_424 : vector<16xi32>
    %div3A_429 = arith.divsi %add3A_428, %get3A_43 : vector<16xi32>
    %gather3A_430 = tpu.vector_load_idx %arg13[%div3A_420, %div3A_429] : memref<32x256xi32, #tpu.memory_space<vmem>>[vector<16xi32>, vector<16xi32>], vector<16xi32>,
    %mul3A_431 = arith.muli %gather3A_430, %get3A_43 : vector<16xi32>
    %mul3A_432 = arith.muli %div3A_429, %get3A_43 : vector<16xi32>
    %sub3A_433 = arith.subi %add3A_428, %mul3A_432 : vector<16xi32>
    %add3A_434 = arith.addi %mul3A_431, %sub3A_433 : vector<16xi32>
    %mul3A_435 = arith.constant 5 : i32
    %mul3A_436 = vector.broadcast %mul3A_435 : i32 to vector<16xi32>
    %mul3A_437 = arith.muli %div3A_420, %mul3A_436 : vector<16xi32>
    %add3A_438 = arith.addi %mul3A_437, %gather3A_425 : vector<16xi32>
    %sub3A_439 = arith.constant 1 : i32
    %sub3A_440 = vector.broadcast %sub3A_439 : i32 to vector<16xi32>
    %sub3A_441 = arith.subi %add3A_438, %sub3A_440 : vector<16xi32>
    %gather3A_442 = tpu.vector_load_idx %arg11[%sub3A_441] : memref<160xi32, #tpu.memory_space<vmem>>[vector<16xi32>], vector<16xi32>,
    %mul3A_443 = arith.constant 4 : i32
    %mul3A_444 = vector.broadcast %mul3A_443 : i32 to vector<16xi32>
    %mul3A_445 = arith.muli %div3A_420, %mul3A_444 : vector<16xi32>
    %sub3A_446 = arith.constant 1 : i32
    %sub3A_447 = vector.broadcast %sub3A_446 : i32 to vector<16xi32>
    %sub3A_448 = arith.subi %sub3A_424, %sub3A_447 : vector<16xi32>
    %max3A_449 = arith.constant 0 : i32
    %max3A_450 = vector.broadcast %max3A_449 : i32 to vector<16xi32>
    %max3A_451 = arith.maxsi %sub3A_448, %max3A_450 : vector<16xi32>
    %add3A_452 = arith.addi %mul3A_445, %max3A_451 : vector<16xi32>
    %gather3A_453 = tpu.vector_load_idx %arg12[%add3A_452] : memref<128xi32, #tpu.memory_space<vmem>>[vector<16xi32>], vector<16xi32>,
    %eq3A_454 = arith.constant 0 : i32
    %eq3A_455 = vector.broadcast %eq3A_454 : i32 to vector<16xi32>
    %eq3A_456 = arith.cmpi eq, %sub3A_424, %eq3A_455 : vector<16xi32>
    %select_n3A_457 = arith.select %eq3A_456, %gather3A_442, %gather3A_453 : vector<16xi1>, vector<16xi32>
    %swap3A_458 = arith.constant 112 : index
    %swap3A_459 = tpu.vector_load %arg14[%swap3A_458] {strides = array<i32>} : memref<160xi32, #tpu.memory_space<vmem>>, vector<16xi32>,
    tpu.vector_store %arg14[%swap3A_458], %select_n3A_457 {strides = array<i32>} : memref<160xi32, #tpu.memory_space<vmem>>, vector<16xi32>,
    %swap3A_460 = arith.constant 112 : index
    %swap3A_461 = tpu.vector_load %arg15[%swap3A_460] {strides = array<i32>} : memref<160xi32, #tpu.memory_space<vmem>>, vector<16xi32>,
    tpu.vector_store %arg15[%swap3A_460], %add3A_428 {strides = array<i32>} : memref<160xi32, #tpu.memory_space<vmem>>, vector<16xi32>,
    %add3A_462 = arith.constant 1 : i32
    %add3A_463 = vector.broadcast %add3A_462 : i32 to vector<16xi32>
    %add3A_464 = arith.addi %add3A_428, %add3A_463 : vector<16xi32>
    %swap3A_465 = arith.constant 112 : index
    %swap3A_466 = tpu.vector_load %arg16[%swap3A_465] {strides = array<i32>} : memref<160xi32, #tpu.memory_space<vmem>>, vector<16xi32>,
    tpu.vector_store %arg16[%swap3A_465], %add3A_464 {strides = array<i32>} : memref<160xi32, #tpu.memory_space<vmem>>, vector<16xi32>,
    %swap3A_467 = arith.constant 112 : index
    %swap3A_468 = tpu.vector_load %arg17[%swap3A_467] {strides = array<i32>} : memref<160xi32, #tpu.memory_space<vmem>>, vector<16xi32>,
    tpu.vector_store %arg17[%swap3A_467], %add3A_434 {strides = array<i32>} : memref<160xi32, #tpu.memory_space<vmem>>, vector<16xi32>,
    %add3A_469 = arith.constant 128 : i32
    %add3A_470 = vector.broadcast %add3A_469 : i32 to vector<16xi32>
    %add3A_471 = arith.addi %iota3A, %add3A_470 : vector<16xi32>
    %div3A_472 = arith.constant 5 : i32
    %div3A_473 = vector.broadcast %div3A_472 : i32 to vector<16xi32>
    %div3A_474 = arith.divsi %add3A_471, %div3A_473 : vector<16xi32>
    %mul3A_475 = arith.constant 5 : i32
    %mul3A_476 = vector.broadcast %mul3A_475 : i32 to vector<16xi32>
    %mul3A_477 = arith.muli %div3A_474, %mul3A_476 : vector<16xi32>
    %sub3A_478 = arith.subi %add3A_471, %mul3A_477 : vector<16xi32>
    %gather3A_479 = tpu.vector_load_idx %arg10[%div3A_474] : memref<32xi32, #tpu.memory_space<vmem>>[vector<16xi32>], vector<16xi32>,
    %gather3A_480 = tpu.vector_load_idx %arg9[%div3A_474] : memref<32xi32, #tpu.memory_space<vmem>>[vector<16xi32>], vector<16xi32>,
    %add3A_481 = arith.addi %gather3A_480, %gather3A_479 : vector<16xi32>
    %add3A_482 = arith.addi %add3A_481, %sub3A_478 : vector<16xi32>
    %div3A_483 = arith.divsi %add3A_482, %get3A_43 : vector<16xi32>
    %gather3A_484 = tpu.vector_load_idx %arg13[%div3A_474, %div3A_483] : memref<32x256xi32, #tpu.memory_space<vmem>>[vector<16xi32>, vector<16xi32>], vector<16xi32>,
    %mul3A_485 = arith.muli %gather3A_484, %get3A_43 : vector<16xi32>
    %mul3A_486 = arith.muli %div3A_483, %get3A_43 : vector<16xi32>
    %sub3A_487 = arith.subi %add3A_482, %mul3A_486 : vector<16xi32>
    %add3A_488 = arith.addi %mul3A_485, %sub3A_487 : vector<16xi32>
    %mul3A_489 = arith.constant 5 : i32
    %mul3A_490 = vector.broadcast %mul3A_489 : i32 to vector<16xi32>
    %mul3A_491 = arith.muli %div3A_474, %mul3A_490 : vector<16xi32>
    %add3A_492 = arith.addi %mul3A_491, %gather3A_479 : vector<16xi32>
    %sub3A_493 = arith.constant 1 : i32
    %sub3A_494 = vector.broadcast %sub3A_493 : i32 to vector<16xi32>
    %sub3A_495 = arith.subi %add3A_492, %sub3A_494 : vector<16xi32>
    %gather3A_496 = tpu.vector_load_idx %arg11[%sub3A_495] : memref<160xi32, #tpu.memory_space<vmem>>[vector<16xi32>], vector<16xi32>,
    %mul3A_497 = arith.constant 4 : i32
    %mul3A_498 = vector.broadcast %mul3A_497 : i32 to vector<16xi32>
    %mul3A_499 = arith.muli %div3A_474, %mul3A_498 : vector<16xi32>
    %sub3A_500 = arith.constant 1 : i32
    %sub3A_501 = vector.broadcast %sub3A_500 : i32 to vector<16xi32>
    %sub3A_502 = arith.subi %sub3A_478, %sub3A_501 : vector<16xi32>
    %max3A_503 = arith.constant 0 : i32
    %max3A_504 = vector.broadcast %max3A_503 : i32 to vector<16xi32>
    %max3A_505 = arith.maxsi %sub3A_502, %max3A_504 : vector<16xi32>
    %add3A_506 = arith.addi %mul3A_499, %max3A_505 : vector<16xi32>
    %gather3A_507 = tpu.vector_load_idx %arg12[%add3A_506] : memref<128xi32, #tpu.memory_space<vmem>>[vector<16xi32>], vector<16xi32>,
    %eq3A_508 = arith.constant 0 : i32
    %eq3A_509 = vector.broadcast %eq3A_508 : i32 to vector<16xi32>
    %eq3A_510 = arith.cmpi eq, %sub3A_478, %eq3A_509 : vector<16xi32>
    %select_n3A_511 = arith.select %eq3A_510, %gather3A_496, %gather3A_507 : vector<16xi1>, vector<16xi32>
    %swap3A_512 = arith.constant 128 : index
    %swap3A_513 = tpu.vector_load %arg14[%swap3A_512] {strides = array<i32>} : memref<160xi32, #tpu.memory_space<vmem>>, vector<16xi32>,
    tpu.vector_store %arg14[%swap3A_512], %select_n3A_511 {strides = array<i32>} : memref<160xi32, #tpu.memory_space<vmem>>, vector<16xi32>,
    %swap3A_514 = arith.constant 128 : index
    %swap3A_515 = tpu.vector_load %arg15[%swap3A_514] {strides = array<i32>} : memref<160xi32, #tpu.memory_space<vmem>>, vector<16xi32>,
    tpu.vector_store %arg15[%swap3A_514], %add3A_482 {strides = array<i32>} : memref<160xi32, #tpu.memory_space<vmem>>, vector<16xi32>,
    %add3A_516 = arith.constant 1 : i32
    %add3A_517 = vector.broadcast %add3A_516 : i32 to vector<16xi32>
    %add3A_518 = arith.addi %add3A_482, %add3A_517 : vector<16xi32>
    %swap3A_519 = arith.constant 128 : index
    %swap3A_520 = tpu.vector_load %arg16[%swap3A_519] {strides = array<i32>} : memref<160xi32, #tpu.memory_space<vmem>>, vector<16xi32>,
    tpu.vector_store %arg16[%swap3A_519], %add3A_518 {strides = array<i32>} : memref<160xi32, #tpu.memory_space<vmem>>, vector<16xi32>,
    %swap3A_521 = arith.constant 128 : index
    %swap3A_522 = tpu.vector_load %arg17[%swap3A_521] {strides = array<i32>} : memref<160xi32, #tpu.memory_space<vmem>>, vector<16xi32>,
    tpu.vector_store %arg17[%swap3A_521], %add3A_488 {strides = array<i32>} : memref<160xi32, #tpu.memory_space<vmem>>, vector<16xi32>,
    %add3A_523 = arith.constant 144 : i32
    %add3A_524 = vector.broadcast %add3A_523 : i32 to vector<16xi32>
    %add3A_525 = arith.addi %iota3A, %add3A_524 : vector<16xi32>
    %div3A_526 = arith.constant 5 : i32
    %div3A_527 = vector.broadcast %div3A_526 : i32 to vector<16xi32>
    %div3A_528 = arith.divsi %add3A_525, %div3A_527 : vector<16xi32>
    %mul3A_529 = arith.constant 5 : i32
    %mul3A_530 = vector.broadcast %mul3A_529 : i32 to vector<16xi32>
    %mul3A_531 = arith.muli %div3A_528, %mul3A_530 : vector<16xi32>
    %sub3A_532 = arith.subi %add3A_525, %mul3A_531 : vector<16xi32>
    %gather3A_533 = tpu.vector_load_idx %arg10[%div3A_528] : memref<32xi32, #tpu.memory_space<vmem>>[vector<16xi32>], vector<16xi32>,
    %gather3A_534 = tpu.vector_load_idx %arg9[%div3A_528] : memref<32xi32, #tpu.memory_space<vmem>>[vector<16xi32>], vector<16xi32>,
    %add3A_535 = arith.addi %gather3A_534, %gather3A_533 : vector<16xi32>
    %add3A_536 = arith.addi %add3A_535, %sub3A_532 : vector<16xi32>
    %div3A_537 = arith.divsi %add3A_536, %get3A_43 : vector<16xi32>
    %gather3A_538 = tpu.vector_load_idx %arg13[%div3A_528, %div3A_537] : memref<32x256xi32, #tpu.memory_space<vmem>>[vector<16xi32>, vector<16xi32>], vector<16xi32>,
    %mul3A_539 = arith.muli %gather3A_538, %get3A_43 : vector<16xi32>
    %mul3A_540 = arith.muli %div3A_537, %get3A_43 : vector<16xi32>
    %sub3A_541 = arith.subi %add3A_536, %mul3A_540 : vector<16xi32>
    %add3A_542 = arith.addi %mul3A_539, %sub3A_541 : vector<16xi32>
    %mul3A_543 = arith.constant 5 : i32
    %mul3A_544 = vector.broadcast %mul3A_543 : i32 to vector<16xi32>
    %mul3A_545 = arith.muli %div3A_528, %mul3A_544 : vector<16xi32>
    %add3A_546 = arith.addi %mul3A_545, %gather3A_533 : vector<16xi32>
    %sub3A_547 = arith.constant 1 : i32
    %sub3A_548 = vector.broadcast %sub3A_547 : i32 to vector<16xi32>
    %sub3A_549 = arith.subi %add3A_546, %sub3A_548 : vector<16xi32>
    %gather3A_550 = tpu.vector_load_idx %arg11[%sub3A_549] : memref<160xi32, #tpu.memory_space<vmem>>[vector<16xi32>], vector<16xi32>,
    %mul3A_551 = arith.constant 4 : i32
    %mul3A_552 = vector.broadcast %mul3A_551 : i32 to vector<16xi32>
    %mul3A_553 = arith.muli %div3A_528, %mul3A_552 : vector<16xi32>
    %sub3A_554 = arith.constant 1 : i32
    %sub3A_555 = vector.broadcast %sub3A_554 : i32 to vector<16xi32>
    %sub3A_556 = arith.subi %sub3A_532, %sub3A_555 : vector<16xi32>
    %max3A_557 = arith.constant 0 : i32
    %max3A_558 = vector.broadcast %max3A_557 : i32 to vector<16xi32>
    %max3A_559 = arith.maxsi %sub3A_556, %max3A_558 : vector<16xi32>
    %add3A_560 = arith.addi %mul3A_553, %max3A_559 : vector<16xi32>
    %gather3A_561 = tpu.vector_load_idx %arg12[%add3A_560] : memref<128xi32, #tpu.memory_space<vmem>>[vector<16xi32>], vector<16xi32>,
    %eq3A_562 = arith.constant 0 : i32
    %eq3A_563 = vector.broadcast %eq3A_562 : i32 to vector<16xi32>
    %eq3A_564 = arith.cmpi eq, %sub3A_532, %eq3A_563 : vector<16xi32>
    %select_n3A_565 = arith.select %eq3A_564, %gather3A_550, %gather3A_561 : vector<16xi1>, vector<16xi32>
    %swap3A_566 = arith.constant 144 : index
    %swap3A_567 = tpu.vector_load %arg14[%swap3A_566] {strides = array<i32>} : memref<160xi32, #tpu.memory_space<vmem>>, vector<16xi32>,
    tpu.vector_store %arg14[%swap3A_566], %select_n3A_565 {strides = array<i32>} : memref<160xi32, #tpu.memory_space<vmem>>, vector<16xi32>,
    %swap3A_568 = arith.constant 144 : index
    %swap3A_569 = tpu.vector_load %arg15[%swap3A_568] {strides = array<i32>} : memref<160xi32, #tpu.memory_space<vmem>>, vector<16xi32>,
    tpu.vector_store %arg15[%swap3A_568], %add3A_536 {strides = array<i32>} : memref<160xi32, #tpu.memory_space<vmem>>, vector<16xi32>,
    %add3A_570 = arith.constant 1 : i32
    %add3A_571 = vector.broadcast %add3A_570 : i32 to vector<16xi32>
    %add3A_572 = arith.addi %add3A_536, %add3A_571 : vector<16xi32>
    %swap3A_573 = arith.constant 144 : index
    %swap3A_574 = tpu.vector_load %arg16[%swap3A_573] {strides = array<i32>} : memref<160xi32, #tpu.memory_space<vmem>>, vector<16xi32>,
    tpu.vector_store %arg16[%swap3A_573], %add3A_572 {strides = array<i32>} : memref<160xi32, #tpu.memory_space<vmem>>, vector<16xi32>,
    %swap3A_575 = arith.constant 144 : index
    %swap3A_576 = tpu.vector_load %arg17[%swap3A_575] {strides = array<i32>} : memref<160xi32, #tpu.memory_space<vmem>>, vector<16xi32>,
    tpu.vector_store %arg17[%swap3A_575], %add3A_542 {strides = array<i32>} : memref<160xi32, #tpu.memory_space<vmem>>, vector<16xi32>,
    %mul3A_577 = arith.constant 160 : i32
    %mul3A_578 = arith.muli %add3A, %mul3A_577 : i32
    %dma_start3A_579 = tpu.memref_slice %arg4[%mul3A_578] : memref<5120xi32, #tpu.memory_space<hbm>> -> memref<160xi32, #tpu.memory_space<hbm>>
    %dma_start3A_580 = tpu.memref_slice %arg4[%mul3A_578] : memref<5120xi32, #tpu.memory_space<hbm>> -> memref<160xi32, #tpu.memory_space<hbm>>
    tpu.enqueue_dma source(%arg14 : memref<160xi32, #tpu.memory_space<vmem>>) target(%dma_start3A_580 : memref<160xi32, #tpu.memory_space<hbm>>) target_semaphore(%arg18 : memref<!tpu.dma_semaphore, #tpu.memory_space<semaphore_mem>>)
    %dma_start3A_581 = tpu.memref_slice %arg5[%mul3A_578] : memref<5120xi32, #tpu.memory_space<hbm>> -> memref<160xi32, #tpu.memory_space<hbm>>
    %dma_start3A_582 = tpu.memref_slice %arg5[%mul3A_578] : memref<5120xi32, #tpu.memory_space<hbm>> -> memref<160xi32, #tpu.memory_space<hbm>>
    tpu.enqueue_dma source(%arg15 : memref<160xi32, #tpu.memory_space<vmem>>) target(%dma_start3A_582 : memref<160xi32, #tpu.memory_space<hbm>>) target_semaphore(%arg18 : memref<!tpu.dma_semaphore, #tpu.memory_space<semaphore_mem>>)
    %dma_start3A_583 = tpu.memref_slice %arg6[%mul3A_578] : memref<5120xi32, #tpu.memory_space<hbm>> -> memref<160xi32, #tpu.memory_space<hbm>>
    %dma_start3A_584 = tpu.memref_slice %arg6[%mul3A_578] : memref<5120xi32, #tpu.memory_space<hbm>> -> memref<160xi32, #tpu.memory_space<hbm>>
    tpu.enqueue_dma source(%arg16 : memref<160xi32, #tpu.memory_space<vmem>>) target(%dma_start3A_584 : memref<160xi32, #tpu.memory_space<hbm>>) target_semaphore(%arg18 : memref<!tpu.dma_semaphore, #tpu.memory_space<semaphore_mem>>)
    %dma_start3A_585 = tpu.memref_slice %arg7[%mul3A_578] : memref<5120xi32, #tpu.memory_space<hbm>> -> memref<160xi32, #tpu.memory_space<hbm>>
    %dma_start3A_586 = tpu.memref_slice %arg7[%mul3A_578] : memref<5120xi32, #tpu.memory_space<hbm>> -> memref<160xi32, #tpu.memory_space<hbm>>
    tpu.enqueue_dma source(%arg17 : memref<160xi32, #tpu.memory_space<vmem>>) target(%dma_start3A_586 : memref<160xi32, #tpu.memory_space<hbm>>) target_semaphore(%arg18 : memref<!tpu.dma_semaphore, #tpu.memory_space<semaphore_mem>>)
    %dma_wait3A_587 = tpu.memref_slice %arg4[%mul3A_578] : memref<5120xi32, #tpu.memory_space<hbm>> -> memref<160xi32, #tpu.memory_space<hbm>>
    %dma_wait3A_588 = tpu.memref_slice %arg4[%mul3A_578] : memref<5120xi32, #tpu.memory_space<hbm>> -> memref<160xi32, #tpu.memory_space<hbm>>
    tpu.wait_dma2 semaphore(%arg18 : memref<!tpu.dma_semaphore, #tpu.memory_space<semaphore_mem>>) src(%arg14 : memref<160xi32, #tpu.memory_space<vmem>>) dst(%dma_wait3A_588 : memref<160xi32, #tpu.memory_space<hbm>>)
    %dma_wait3A_589 = tpu.memref_slice %arg5[%mul3A_578] : memref<5120xi32, #tpu.memory_space<hbm>> -> memref<160xi32, #tpu.memory_space<hbm>>
    %dma_wait3A_590 = tpu.memref_slice %arg5[%mul3A_578] : memref<5120xi32, #tpu.memory_space<hbm>> -> memref<160xi32, #tpu.memory_space<hbm>>
    tpu.wait_dma2 semaphore(%arg18 : memref<!tpu.dma_semaphore, #tpu.memory_space<semaphore_mem>>) src(%arg15 : memref<160xi32, #tpu.memory_space<vmem>>) dst(%dma_wait3A_590 : memref<160xi32, #tpu.memory_space<hbm>>)
    %dma_wait3A_591 = tpu.memref_slice %arg6[%mul3A_578] : memref<5120xi32, #tpu.memory_space<hbm>> -> memref<160xi32, #tpu.memory_space<hbm>>
    %dma_wait3A_592 = tpu.memref_slice %arg6[%mul3A_578] : memref<5120xi32, #tpu.memory_space<hbm>> -> memref<160xi32, #tpu.memory_space<hbm>>
    tpu.wait_dma2 semaphore(%arg18 : memref<!tpu.dma_semaphore, #tpu.memory_space<semaphore_mem>>) src(%arg16 : memref<160xi32, #tpu.memory_space<vmem>>) dst(%dma_wait3A_592 : memref<160xi32, #tpu.memory_space<hbm>>)
    %dma_wait3A_593 = tpu.memref_slice %arg7[%mul3A_578] : memref<5120xi32, #tpu.memory_space<hbm>> -> memref<160xi32, #tpu.memory_space<hbm>>
    %dma_wait3A_594 = tpu.memref_slice %arg7[%mul3A_578] : memref<5120xi32, #tpu.memory_space<hbm>> -> memref<160xi32, #tpu.memory_space<hbm>>
    tpu.wait_dma2 semaphore(%arg18 : memref<!tpu.dma_semaphore, #tpu.memory_space<semaphore_mem>>) src(%arg17 : memref<160xi32, #tpu.memory_space<vmem>>) dst(%dma_wait3A_594 : memref<160xi32, #tpu.memory_space<hbm>>)
    return
  }
}

</mosaic_0001>

<sc_bundles>
// kernel: kernel.3.cloned.1.call-start
scs
__scs_entry_jumppad:
0x0: {  	(pc) =	sbr.rel $0x88, $3  }
0x1: {  	(tag) =	ssettag $0x0;
	lr =	simm.s32 $0x1  }
0x2: {  	[smem:$0x3F9B] =	sst lr;
	_ =	strace $0xD0000000  }
0x3: {  	_ = 	snop  }
0x4: {  	_ = 	snop  }
0x5: {  	_ = 	snop  }
0x6: {  	_ = 	snop  }
0x7: {  	_ = 	snop  }
__scs_overlays_trampoline_lowered:
0x8: {  	[smem:$0x3FAA] =	sst s0  }
0x9: {  	[smem:$0x3FAB] =	sst s1  }
0xa: {  	[smem:$0x3FAC] =	sst s2  }
0xb: {  	[smem:$0x3FAD] =	sst s3  }
0xc: {  	[smem:$0x3FAE] =	sst s4  }
0xd: {  	[smem:$0x3FAF] =	sst s5  }
0xe: {  	[smem:$0x3FB0] =	sst s6  }
0xf: {  	[smem:$0x3FB1] =	sst s7  }
0x10: {  	[smem:$0x3FB2] =	sst s8  }
0x11: {  	[smem:$0x3FB3] =	sst s9;
	s0 =	simm.s32 @!p0 $0x0  }
0x12: {  	s1 =	sld [smem:$0x3F99];
	s0 =	simm.s32 @p0 $0x1  }
0x13: {  	[smem:$0x3FB4] =	sst s0;
	s0 =	simm.s32 @!p1 $0x0  }
0x14: {  	s2 =	sld [smem:$0x3F98];
	s0 =	simm.s32 @p1 $0x1  }
0x15: {  	[smem:$0x3FB5] =	sst s0;
	s0 =	simm.s32 @!p2 $0x0  }
0x16: {  	s3 =	sld [smem:$0x3FDB];
	s0 =	simm.s32 @p2 $0x1  }
0x17: {  	s4 =	simm.s32 $0x1BF5;
	[smem:$0x3FB7] =	sst s0  }
0x18: {  	s0 =	sld [smem:$0x3F9A];
	_ =	swait.ge [sflag:s4], $0x0  }
0x19: {  	s7 =	sld [smem:$0x3F9B]  }
0x1a: {  	s8 =	sadd.s32 $0xFFFFE003, lr  }
0x1b: {  	s9 =	sadd.s32 $0xFFFFFEF7, lr;
	s5 =	simm.s32 $0xFFFFFFFF;
	p2 =	slt.u32 s8, $0xFFFFF086  }
0x1c: {  	p1 =	slt.u32 s9, $0xF7A;
	s5 =	simm.s32 @!p2 $0x0  }
0x1d: {  	s5 =	simm.s32 @p1 $0x1;
	p0 =	seq.s32 s7, s2  }
0x1e: {  	s7 =	smul.u32 @!p0 $0xF7A, s2;
	p2 =	seq.s32 @!p0 s5, $0x0  }
0x1f: {  	s9 =	smul.u32 $0xF7A, s1;
	s8 =	simm.s32 @!p0 $0x1BF5;
	p2 =	por !p2, p0  }
0x20: {  	[sflag:s8] =	ssyncset.s32 @!p0 $0xFFFFF086;
	s6 =	sadd.s32 @!p0 s3, s7;
	s7 =	simm.s32 @!p0 $0x108  }
0x21: {  	s3 =	sadd.s32 s3, s9;
	s6 =	sadd.s32 @!p0 $0x88, s6;
	s7 =	simm.s32 @p2 $0x1082  }
0x22: {  	[simem:s7], [sflag:s8] =	dma.local @!p0 [hbm:s6], $0xF7A  }
0x23: {  	s9 =	sor.u32 $0xD0000000, s2;
	s6 =	simm.s32 $0x108;
	_ =	swait.ge @!p0 [sflag:s8], $0x0  }
0x24: {  	s3 =	sadd.s32 $0x88, s3;
	s6 =	simm.s32 @!p1 $0x1082;
	[sflag:s4] =	ssyncset.s32 $0xFFFFF086  }
0x25: {  	[simem:s6], [sflag:s4] =	dma.local [hbm:s3], $0xF7A  }
0x26: {  	[smem:$0x3F9B] =	sst s1;
	(tag) =	ssettag s2;
	_ =	strace s9  }
0x27: {  	s1 =	sld [smem:$0x3FAB]  }
0x28: {  	s2 =	sld [smem:$0x3FAC]  }
0x29: {  	s4 =	sld [smem:$0x3FAE]  }
0x2a: {  	p0 =	seq.s32 s5, $0x0;
	s5 =	sld [smem:$0x3FAF]  }
0x2b: {  	s6 =	sld [smem:$0x3FB0]  }
0x2c: {  	s7 =	sld [smem:$0x3FB1]  }
0x2d: {  	s3 =	simm.s32 $0x108;
	s8 =	sld [smem:$0x3FB2]  }
0x2e: {  	s3 =	simm.s32 @!p0 $0x1082;
	s9 =	sld [smem:$0x3FB3]  }
0x2f: {  	lr =	sadd.s32 s0, s3;
	s0 =	sld [smem:$0x3FAA]  }
0x30: {  	s3 =	sld [smem:$0x3FAD]  }
0x31: {  	[smem:$0x3FB6] =	sst s10  }
0x32: {  	s10 =	sld [smem:$0x3FB4];
	_ =	sdelay $0x3  }
0x33: {  	p0 =	seq.s32 s10, $0x1;
	s10 =	sld [smem:$0x3FB6];
	_ =	sdelay $0x3  }
0x34: {  	[smem:$0x3FB6] =	sst s10  }
0x35: {  	s10 =	sld [smem:$0x3FB5];
	_ =	sdelay $0x3  }
0x36: {  	p1 =	seq.s32 s10, $0x1;
	s10 =	sld [smem:$0x3FB6];
	_ =	sdelay $0x3  }
0x37: {  	[smem:$0x3FB6] =	sst s10  }
0x38: {  	s10 =	sld [smem:$0x3FB7]  }
0x39: {  	_ = 	snop;
	(pc) =	sbr.ind lr, $3  }
0x3a: {  	_ = 	snop  }
0x3b: {  	_ = 	snop  }
0x3c: {  	p2 =	seq.s32 s10, $0x1;
	s10 =	sld [smem:$0x3FB6]  }
0x3d: {  	_ =	shalt  }
0x3e: {  	_ =	shalt  }
0x3f: {  	_ =	shalt  }
0x40: {  	_ =	shalt  }
0x41: {  	_ =	shalt  }
0x42: {  	_ =	shalt  }
0x43: {  	_ =	shalt  }
0x44: {  	_ =	shalt  }
0x45: {  	_ =	shalt  }
0x46: {  	_ =	shalt  }
0x47: {  	_ =	shalt  }
0x48: {  	_ =	shalt  }
0x49: {  	_ =	shalt  }
0x4a: {  	_ =	shalt  }
0x4b: {  	_ =	shalt  }
0x4c: {  	_ =	shalt  }
0x4d: {  	_ =	shalt  }
0x4e: {  	_ =	shalt  }
0x4f: {  	_ =	shalt  }
0x50: {  	_ =	shalt  }
0x51: {  	_ =	shalt  }
0x52: {  	_ =	shalt  }
0x53: {  	_ =	shalt  }
0x54: {  	_ =	shalt  }
0x55: {  	_ =	shalt  }
0x56: {  	_ =	shalt  }
0x57: {  	_ =	shalt  }
0x58: {  	_ =	shalt  }
0x59: {  	_ =	shalt  }
0x5a: {  	_ =	shalt  }
0x5b: {  	_ =	shalt  }
0x5c: {  	_ =	shalt  }
0x5d: {  	_ =	shalt  }
0x5e: {  	_ =	shalt  }
0x5f: {  	_ =	shalt  }
0x60: {  	_ =	shalt  }
0x61: {  	_ =	shalt  }
0x62: {  	_ =	shalt  }
0x63: {  	_ =	shalt  }
0x64: {  	_ =	shalt  }
0x65: {  	_ =	shalt  }
0x66: {  	_ =	shalt  }
0x67: {  	_ =	shalt  }
0x68: {  	_ =	shalt  }
0x69: {  	_ =	shalt  }
0x6a: {  	_ =	shalt  }
0x6b: {  	_ =	shalt  }
0x6c: {  	_ =	shalt  }
0x6d: {  	_ =	shalt  }
0x6e: {  	_ =	shalt  }
0x6f: {  	_ =	shalt  }
0x70: {  	_ =	shalt  }
0x71: {  	_ =	shalt  }
0x72: {  	_ =	shalt  }
0x73: {  	_ =	shalt  }
0x74: {  	_ =	shalt  }
0x75: {  	_ =	shalt  }
0x76: {  	_ =	shalt  }
0x77: {  	_ =	shalt  }
0x78: {  	_ =	shalt  }
0x79: {  	_ =	shalt  }
0x7a: {  	_ =	shalt  }
0x7b: {  	_ =	shalt  }
0x7c: {  	_ =	shalt  }
0x7d: {  	_ =	shalt  }
0x7e: {  	_ =	shalt  }
0x7f: {  	_ =	shalt  }
0x80: {  	_ =	shalt  }
0x81: {  	_ =	shalt  }
0x82: {  	_ =	shalt  }
0x83: {  	_ =	shalt  }
0x84: {  	_ =	shalt  }
0x85: {  	_ =	shalt  }
0x86: {  	_ =	shalt  }
0x87: {  	_ =	shalt  }
.Lfunc_end0:
.L_simem_size_0:
called_computation_lowered:
.L_overlay_start_0:
0x88: {  	s2 =	sld [smem:$0x3FD9]  }
0x89: {  	s3 =	sld [smem:$0x3FFE];
	_ =	sdelay $0x1  }
0x8a: {  	s1 =	srdreg.scid  }
0x8b: {  	s0 =	sand.u32 $0x1, s1  }
0x8c: {  	s14 =	sshll.u32 s0, $0xA;
	s2 =	sadd.s32 s3, s2  }
0x8d: {  	s2 =	sadd.s32 s2, s14  }
0x8e: {  	[smem:$0x3FC2] =	sst s2  }
0x8f: {  	_ = 	snop  }
0x90: {  	s2 =	sld [smem:$0x3FD0];
	_ =	sdelay $0x2  }
0x91: {  	s4 =	simm.s32 $0xA;
	s5 =	simm.s32 $0x10;
	s15 =	sld [smem:$0x3FC7]  }
0x92: {  	[smem:s5], [sflag:s4] =	dma.local [hbm:s2], $0x1  }
0x93: {  	_ =	swait.eq [sflag:s4], $0x1  }
0x94: {  	s16 =	sld [smem:$0x10]  }
0x95: {  	s17 =	sld [smem:$0x11];
	[sflag:s4] =	ssyncset.done $0x0  }
0x96: {  	s6 =	sld [smem:$0x12];
	[sflag:s4] =	ssyncadd.s32 $0xFFFFFFFF  }
0x97: {  	s18 =	sld [smem:$0x13];
	(tm) =	ssettm $0x1  }
0x98: {  	s7 =	sld [smem:$0x3FFB];
	_ =	sdelay $0x3  }
0x99: {  	_ =	strace s7  }
0x9a: {  	s7 =	sld [smem:$0x3FFC];
	_ =	sdelay $0x3  }
0x9b: {  	_ =	strace s7  }
0x9c: {  	s7 =	sld [smem:$0x3FFD];
	_ =	sdelay $0x3  }
0x9d: {  	_ =	strace s7  }
0x9e: {  	_ =	strace $0x8FFFFFFF  }
0x9f: {  	s19 =	sld [smem:$0x3FDB];
	_ =	sdelay $0x1  }
0xa0: {  	s8 =	simm.s32 $_scs_section_size  }
0xa1: {  	s9 =	simm.s32 $_size__tile_overlayer_lowered;
	s10 =	simm.s32 $_tile_overlayer_lowered  }
0xa2: {  	s22 =	simm.s32 $0x1BFF;
	s21 =	sshll.u32 s10, $0x1;
	s7 =	sadd.s32 s8, s19  }
0xa3: {  	s11 =	simm.s32 $0x0;
	s20 =	sshll.u32 s9, $0x1;
	s9 =	sadd.s32 s21, s7  }
0xa4: {  	[timem:s11], [sflag:s22] =	dma.local [hbm:s9], s20  }
0xa5: {  	_ =	swait.ge [sflag:s22], s20  }
0xa6: {  	s8 =	ssub.s32 $0x0, s20;
	[sflag:s22] =	ssyncset.done $0x0  }
0xa7: {  	[sflag:s22] =	ssyncadd.s32 s8;
	_ =	sdelay $0x1  }
0xa8: {  	s23 =	simm.s32 $0x1B8B  }
0xa9: {  	_ =	swait.ge [sflag:s23], $0x1  }
0xaa: {  	[sflag:s23] =	ssyncset.done $0x0  }
0xab: {  	s25 =	simm.s32 $0x1B8E;
	s24 =	sld [smem:$0x3FFE];
	[sflag:s23] =	ssyncadd.s32 $0xFFFFFFFF  }
0xac: {  	s26 =	simm.s32 $execute0_lowered;
	[smem:$0x3FD2] =	sst s25  }
0xad: {  	s9 =	sshll.u32 s26, $0x1;
	_ =	strace $0x80000046;
	[dreg:$0x1] =	wrdreg $0xFFFFFFFF  }
0xae: {  	s28 =	simm.s32 $_size_execute0_lowered;
	s7 =	sadd.s32 s7, s9;
	[dreg:$0x0] =	wrdreg $0x0  }
0xaf: {  	s9 =	sshll.u32 s28, $0x1;
	[dreg:$0x2] =	wrdreg s7  }
0xb0: {  	[dreg:$0x3] =	wrdreg s9  }
0xb1: {  	[dreg:$0x4] =	wrdreg $0xC0  }
0xb2: {  	_ =	task [dreg:s11], $0x5FFFF  }
0xb3: {  	[dreg:$0x1] =	wrdreg $0xFFFFFFFF  }
0xb4: {  	[dreg:$0x0] =	wrdreg $0x60  }
0xb5: {  	[dreg:$0x2] =	wrdreg s24  }
0xb6: {  	[dreg:$0x3] =	wrdreg s15  }
0xb7: {  	[dreg:$0x4] =	wrdreg s17  }
0xb8: {  	[dreg:$0x5] =	wrdreg s16  }
0xb9: {  	[dreg:$0x6] =	wrdreg s18  }
0xba: {  	[dreg:$0x7] =	wrdreg s6  }
0xbb: {  	[dreg:$0x8] =	wrdreg $0x9  }
0xbc: {  	_ =	task.clear_ibuf [dreg:s11], $0x9FFFF;
	_ =	strace $0x90000046  }
0xbd: {  	s29 =	simm.s32 $0x9;
	_ =	strace $0x80000048  }
0xbe: {  	_ =	swait.ge [sflag:s29], $0x1  }
0xbf: {  	[sflag:s29] =	ssyncadd.s32 $0xFFFFFFFF  }
0xc0: {  	_ =	strace $0x90000048  }
0xc1: {  	_ =	sfence  }
0xc2: {  	s30 =	sld [smem:$0x0];
	_ =	sdelay $0x2  }
0xc3: {  	s31 =	sshll.u32 s1, $0xD;
	s1 =	sshrl.u32 s1, $0x2  }
0xc4: {  	s3 =	sand.u32 $0x4000, s31;
	s1 =	sadd.s32 s1, s30  }
0xc5: {  	s0 =	sor.u32 s3, s0;
	s1 =	sshll.u32 s1, $0x11  }
0xc6: {  	s0 =	sor.u32 s1, s0  }
0xc7: {  	s0 =	sadd.s32 $0x8F2B, s0  }
0xc8: {  	[sflag:s0] =	ssyncadd.remote.s32 $0x1  }
0xc9: {  	_ =	sfence.sel $0xFFFF  }
0xca: {  	[dreg:$0x0] =	wrdreg $0xFFFFFFFF;
	(pc) =	sbr.abs _section_cstart, $3  }
0xcb: {  	[dreg:$0x1] =	wrdreg $0xFFFFFFFF  }
0xcc: {  	_ =	task.clear_ibuf [dreg:s11], $0x2FFFF;
	_ =	strace $0x9FFFFFFF  }
0xcd: {  	(tm) =	ssettm $0x7FFFFFFF  }
tec
execute0_lowered:
.L_overlay_start_1:
0x0: {  	(tag) =	ssettag $0x1  }
0x1: {  	v0 =	vimm.s32 $0xEAA55400  }
0x2: {  	v1 =	vimm.s32 $0x21043213;
	v2 =	vimm.s32 $0x4321040;
	vm11 =	vcmask $0x2304  }
0x3: {  	vm10 =	vcmask $0x3F24;
	vm2 =	vcmask $0x300;
	vm0 =	vcmask $0x1714  }
0x4: {  	vm7 =	vcmask $0x1F10;
	vm8 =	vcmask $0x2314;
	vm9 =	vcmask $0xF3C  }
0x5: {  	v3 =	vimm.s32 $0xEEDDDDDC;
	vm12 =	vcmask $0xB38;
	v4 =	vimm.s32 $0x0  }
0x6: {  	vm13 =	vcmask $0x330;
	v5 =	vimm.s32 $0x15432150;
	v6 =	vimm.s32 $0x10432100  }
0x7: {  	v7 =	vimm.s32 $0x180;
	v8 =	vimm.s32 $0x43210430;
	v9 =	vimm.s32 $0x54321541  }
0x8: {  	v10 =	vimm.s32 $0x4321041;
	v11 =	vimm.s32 $0x15432152;
	v12 =	vimm.s32 $0x10432102  }
0x9: {  	v13 =	vimm.s32 $0x21543213;
	v16 =	vimm.s32 $0x32104320;
	v17 =	vimm.s32 $0x43215430  }
0xa: {  	v18 =	vimm.s32 $0x54321540;
	v19 =	vimm.s32 $0x300;
	v21 =	vimm.s32 $0x16  }
0xb: {  	v24 =	vimm.s32 $0x1300;
	v25 =	vimm.s32 $0x6D;
	v28 =	vimm.s32 $0x7060606  }
0xc: {  	v42 =	vimm.s32 $0x1F1E1D1C;
	v33 =	vimm.s32 $0x31312C2C;
	v34 =	vimm.s32 $0x36313131  }
0xd: {  	v43 =	vimm.s32 $0x2F2E2D2C;
	v44 =	vimm.s32 $0x28282726;
	v45 =	vimm.s32 $0x4040403B  }
0xe: {  	v35 =	vimm.s32 $0x2C2B2A29;
	v36 =	vimm.s32 $0x45454040;
	v46 =	vimm.s32 $0x35343433  }
0xf: {  	v47 =	vimm.s32 $0x38383736;
	v48 =	vimm.s32 $0x48484746;
	v38 =	vimm.s32 $0x4C4B4A49  }
0x10: {  	v39 =	vimm.s32 $0x42414040;
	v49 =	vimm.s32 $0x62616060;
	v50 =	vimm.s32 $0x17161616  }
0x11: {  	v51 =	vimm.s32 $0x65646463;
	v52 =	vimm.s32 $0x5C5B5A59;
	v53 =	vimm.s32 $0x5F5E5D5C  }
0x12: {  	v54 =	vimm.s32 $0x1A1A1919;
	v55 =	vimm.s32 $0x1B1A1A1A;
	v56 =	vimm.s32 $0x6F6E6D6C  }
0x13: {  	v57 =	vimm.s32 $0x72717070;
	v58 =	vimm.s32 $0x1D1D1D1C;
	v59 =	vimm.s32 $0x1E1E1D1D  }
0x14: {  	v60 =	vimm.s32 $0x7C7B7A79;
	v61 =	vimm.s32 $0x7F7E7D7C;
	v62 =	vimm.s32 $0x75747473  }
0x15: {  	v63 =	vimm.s32 $0x78787776;
	vm4 =	vcmask $0xF0C;
	vm6 =	vcmask $0x1310  }
0x16: {  	vm15 =	vcmask $0x1714;
	vm5 =	vcmask $0x1B18;
	vm14 =	vcmask $0x2320  }
0x17: {  	v0 =	vunpack.c.l.s2.s4 v0;
	v1 =	vunpack.c.l.s4.s8 v1;
	v2 =	vunpack.c.l.s4.s8 v2  }
0x18: {  	vm8 =	vmor vm9, vm8;
	vm9 =	vcmask $0x3728;
	v3 =	vunpack.c.l.s4.s8 v3  }
0x19: {  	v5 =	vunpack.c.l.s4.s8 v5;
	v6 =	vunpack.c.l.s4.s8 v6;
	v8 =	vunpack.c.l.s4.s8 v8  }
0x1a: {  	v9 =	vunpack.c.l.s4.s8 v9;
	v10 =	vunpack.c.l.s4.s8 v10;
	v11 =	vunpack.c.l.s4.s8 v11  }
0x1b: {  	v12 =	vunpack.c.l.s4.s8 v12;
	v13 =	vunpack.c.l.s4.s8 v13;
	v16 =	vunpack.c.l.s4.s8 v16  }
0x1c: {  	v17 =	vunpack.c.l.s4.s8 v17;
	v18 =	vunpack.c.l.s4.s8 v18;
	v28 =	vunpack.c.0.s8.s32 v28  }
0x1d: {  	v33 =	vunpack.c.0.s8.s32 v33;
	v35 =	vunpack.c.0.s8.s32 v35;
	v36 =	vunpack.c.0.s8.s32 v36  }
0x1e: {  	v38 =	vunpack.c.0.s8.s32 v38;
	v39 =	vunpack.c.0.s8.s32 v39;
	vm8 =	vmor vm8, vm9  }
0x1f: {  	vm9 =	vcmask $0x3324;
	v0 =	vunpack.c.l.s4.s8 v0;
	v1 =	vunpack.c.0.s8.s32 v1  }
0x20: {  	v2 =	vunpack.c.0.s8.s32 v2;
	v4 =	vsel vm8, $0xFFFFFFFF, v4;
	vm8 =	vmor vm12, vm7  }
0x21: {  	v3 =	vunpack.c.0.s8.s32 v3;
	vm12 =	vcmask $0x734;
	v5 =	vunpack.c.0.s8.s32 v5  }
0x22: {  	v6 =	vunpack.c.0.s8.s32 v6;
	v14 =	vunpack.c.0.s8.s32 v8;
	v8 =	vunpack.c.0.s8.s32 v9  }
0x23: {  	v9 =	vunpack.c.0.s8.s32 v10;
	v10 =	vunpack.c.0.s8.s32 v11;
	v1 =	vnsel vm11, $0x0, v1  }
0x24: {  	v11 =	vunpack.c.0.s8.s32 v12;
	v1 =	vsel vm10, v2, v1;
	v2 =	vimm.s32 $0xBAAAAA99  }
0x25: {  	v12 =	vunpack.c.0.s8.s32 v13;
	v16 =	vunpack.c.0.s8.s32 v16;
	v2 =	vunpack.c.l.s4.s8 v2  }
0x26: {  	v17 =	vunpack.c.0.s8.s32 v17;
	[tilespmem:$0x1FFB0] =	vst v4;
	vm1 =	vmor vm8, vm9;
	v4 =	vimm.s32 $0x0  }
0x27: {  	vm9 =	vcmask $0x1F00;
	vm8 =	vcmask $0x1B0C;
	v2 =	vunpack.c.0.s8.s32 v2  }
0x28: {  	v0 =	vunpack.c.0.s8.s32 v0;
	vm8 =	vmor vm12, vm8;
	vm12 =	vcmask $0x1708  }
0x29: {  	v4 =	vsel vm1, $0xFFFFFFFF, v4;
	vm12 =	vmor vm13, vm12;
	v2 =	vand.u32 $0xF, v2  }
0x2a: {  	vm13 =	vcmask $0x2B1C;
	v31 =	vnsel vm9, $0xC, v2;
	v2 =	vand.u32 $0xF, v3  }
0x2b: {  	vm1 =	vmor vm12, vm13;
	v40 =	vnsel vm9, $0xF, v2;
	v2 =	vimm.s32 $0x0  }
0x2c: {  	v13 =	vnsel vm11, $0x2, v14;
	v3 =	vimm.s32 $0x32104324;
	v2 =	vsel vm1, $0xFFFFFFFF, v2  }
0x2d: {  	v8 =	vnsel vm11, $0x3, v8;
	v3 =	vunpack.c.l.s4.s8 v3;
	[tilespmem:$0x1FFD0] =	vst v2;
	v2 =	vimm.s32 $0x32154324  }
0x2e: {  	v9 =	vnsel vm11, $0x3, v9;
	v10 =	vnsel vm11, $0x4, v10;
	v2 =	vunpack.c.l.s4.s8 v2  }
0x2f: {  	v11 =	vnsel vm11, $0x4, v11;
	v12 =	vnsel vm11, $0x5, v12;
	v3 =	vunpack.c.0.s8.s32 v3  }
0x30: {  	[tilespmem:$0x1FFC0] =	vst v4;
	v4 =	vimm.s32 $0x43215435;
	vm12 =	vcmask $0x1300;
	v2 =	vunpack.c.0.s8.s32 v2  }
0x31: {  	v4 =	vunpack.c.l.s4.s8 v4;
	v15 =	vsel vm12, $0x0, v7;
	v3 =	vnsel vm11, $0x1, v3  }
0x32: {  	v7 =	vimm.s32 $0x32154320;
	v3 =	vsel vm10, v6, v3;
	v2 =	vnsel vm11, $0x1, v2  }
0x33: {  	v6 =	vimm.s32 $0x21043210;
	v2 =	vsel vm10, v5, v2;
	v5 =	vimm.s32 $0x21543210  }
0x34: {  	v4 =	vunpack.c.0.s8.s32 v4;
	v6 =	vunpack.c.l.s4.s8 v6;
	v5 =	vunpack.c.l.s4.s8 v5  }
0x35: {  	v0 =	vand.u32 $0x3, v0;
	vm13 =	vcmask $0x3B38;
	v7 =	vunpack.c.l.s4.s8 v7  }
0x36: {  	v4 =	vnsel vm11, $0x2, v4;
	v6 =	vunpack.c.0.s8.s32 v6;
	v5 =	vunpack.c.0.s8.s32 v5  }
0x37: {  	v7 =	vunpack.c.0.s8.s32 v7;
	vm9 =	vcmask $0x300;
	vm1 =	vcmask $0x2B28  }
0x38: {  	vm11 =	vcmask $0x1F1C;
	v4 =	vsel vm10, v5, v4;
	v5 =	vsel vm10, v6, v13  }
0x39: {  	v13 =	vunpack.c.0.s8.s32 v18;
	v6 =	vsel vm10, v7, v8;
	v7 =	vsel vm10, v16, v9  }
0x3a: {  	v8 =	vsel vm10, v17, v10;
	v9 =	vsel vm10, v14, v11;
	v16 =	vimm.s32 $0x1180  }
0x3b: {  	v14 =	vimm.s32 $0xCBA98876;
	v17 =	vimm.s32 $0x5E;
	v16 =	vsel vm12, $0x1000, v16  }
0x3c: {  	v17 =	vsel vm12, $0x4F, v17;
	v14 =	vunpack.c.l.s4.s8 v14;
	v10 =	vsel vm10, v13, v12  }
0x3d: {  	vm10 =	vcmask $0x2714;
	v12 =	vimm.s32 $0xE;
	v13 =	vimm.s32 $0x54432100  }
0x3e: {  	v11 =	vsel vm10, $0x80, v15;
	v12 =	vsel vm12, $0xFFFFFFFF, v12;
	v13 =	vunpack.c.l.s4.s8 v13  }
0x3f: {  	v15 =	vimm.s32 $0x13;
	v16 =	vsel vm10, $0x1080, v16;
	v17 =	vsel vm10, $0x54, v17  }
0x40: {  	v15 =	vsel vm12, $0x10, v15;
	vm12 =	vcmask $0x3B28;
	v12 =	vsel vm10, $0x4, v12  }
0x41: {  	v11 =	vsel vm12, $0x100, v11;
	v22 =	vunpack.c.0.s8.s32 v13;
	v13 =	vunpack.c.0.s8.s32 v14  }
0x42: {  	v14 =	vimm.s32 $0x6;
	v15 =	vsel vm10, $0x11, v15;
	vm10 =	vcmask $0xF00  }
0x43: {  	v12 =	vsel vm12, $0x9, v12;
	v18 =	vsel vm10, $0x3, v14;
	v14 =	vsel vm12, $0x1100, v16  }
0x44: {  	v16 =	vsel vm10, $0x180, v19;
	v21 =	vsel vm10, $0x13, v21;
	v24 =	vsel vm10, $0x1180, v24  }
0x45: {  	v25 =	vsel vm10, $0x5E, v25;
	v28 =	vnsel vm10, $0x9, v28;
	v23 =	vand.u32 $0xF, v13  }
0x46: {  	v13 =	vsel vm12, $0x12, v15;
	v15 =	vsel vm12, $0x59, v17;
	vm12 =	vcmask $0x2310  }
0x47: {  	v17 =	vimm.s32 $0x1D;
	v28 =	vsel vm7, $0x7, v28;
	v18 =	vsel vm12, $0x4, v18  }
0x48: {  	v19 =	vsel vm12, $0x200, v16;
	v16 =	vsel vm10, $0xE, v17;
	v17 =	vimm.s32 $0x18181716  }
0x49: {  	v21 =	vsel vm12, $0x14, v21;
	v24 =	vsel vm12, $0x1200, v24;
	v25 =	vsel vm12, $0x63, v25  }
0x4a: {  	v22 =	vcombine.low v22, v23;
	v20 =	vsel vm12, $0x13, v16;
	v16 =	vimm.s32 $0x15141413  }
0x4b: {  	vm12 =	vcmask $0x3724;
	v27 =	vunpack.c.0.s8.s32 v17;
	v17 =	vimm.s32 $0x12111010  }
0x4c: {  	v26 =	vunpack.c.0.s8.s32 v16;
	v16 =	vimm.s32 $0xF0E0D0C;
	v30 =	vunpack.c.0.s8.s32 v17  }
0x4d: {  	v17 =	vsel vm12, $0x280, v19;
	v19 =	vsel vm12, $0x15, v21;
	v21 =	vsel vm12, $0x68, v25  }
0x4e: {  	v29 =	vunpack.c.0.s8.s32 v16;
	v16 =	vsel vm12, $0x5, v18;
	v18 =	vsel vm12, $0x18, v20  }
0x4f: {  	v20 =	vsel vm12, $0x1280, v24;
	vm12 =	vcmask $0xB00;
	v24 =	vimm.s32 $0x880  }
0x50: {  	v25 =	vimm.s32 $0x1880;
	v26 =	vsel vm7, v27, v26;
	v24 =	vsel vm12, $0x300, v24  }
0x51: {  	v25 =	vsel vm12, $0x1300, v25;
	vm12 =	vcmask $0x1F0C;
	v27 =	vsel vm7, v30, v29  }
0x52: {  	v30 =	vsel vm12, $0x380, v24;
	v24 =	vimm.s32 $0x221D1D1D;
	v29 =	vsel vm12, $0x1380, v25  }
0x53: {  	vm12 =	vcmask $0x3320;
	v32 =	vunpack.c.0.s8.s32 v24;
	v23 =	vcombine.low v27, v26  }
0x54: {  	v24 =	vsel vm12, $0x8, v28;
	v25 =	vsel vm12, $0x800, v30;
	v27 =	vimm.s32 $0x22212020  }
0x55: {  	v28 =	vimm.s32 $0x25242423;
	v30 =	vimm.s32 $0x1C1B1A19;
	v29 =	vsel vm12, $0x1800, v29  }
0x56: {  	v27 =	vunpack.c.0.s8.s32 v27;
	v28 =	vunpack.c.0.s8.s32 v28;
	v30 =	vunpack.c.0.s8.s32 v30  }
0x57: {  	v26 =	vnsel vm10, $0x2C, v32;
	v32 =	vunpack.c.0.s8.s32 v42;
	v42 =	vimm.s32 $0x45444443  }
0x58: {  	v26 =	vsel vm7, $0x22, v26;
	v27 =	vsel vm7, v28, v27;
	v42 =	vunpack.c.0.s8.s32 v42  }
0x59: {  	v26 =	vsel vm12, $0x27, v26;
	v28 =	vsel vm7, v32, v30;
	v30 =	vunpack.c.0.s8.s32 v34  }
0x5a: {  	v34 =	vunpack.c.0.s8.s32 v45;
	v27 =	vcombine.low v28, v27;
	v28 =	vnsel vm10, $0x3B, v33  }
0x5b: {  	v32 =	vunpack.c.0.s8.s32 v44;
	v33 =	vsel vm7, v30, v28;
	v30 =	vimm.s32 $0x32313030  }
0x5c: {  	v44 =	vimm.s32 $0x58585756;
	v28 =	vunpack.c.0.s8.s32 v43;
	v30 =	vunpack.c.0.s8.s32 v30  }
0x5d: {  	v44 =	vunpack.c.0.s8.s32 v44;
	v39 =	vsel vm7, v42, v39;
	v43 =	vimm.s32 $0x55545453  }
0x5e: {  	v42 =	vunpack.c.0.s8.s32 v52;
	v43 =	vunpack.c.0.s8.s32 v43;
	v37 =	vsel vm7, v30, v28  }
0x5f: {  	v28 =	vnsel vm10, $0x4A, v34;
	v30 =	vimm.s32 $0x3C3B3A39;
	v34 =	vsel vm7, v35, v32  }
0x60: {  	v32 =	vunpack.c.0.s8.s32 v46;
	v35 =	vunpack.c.0.s8.s32 v47;
	v43 =	vsel vm7, v44, v43  }
0x61: {  	v44 =	vunpack.c.0.s8.s32 v53;
	v41 =	vsel vm7, v36, v28;
	v28 =	vunpack.c.0.s8.s32 v30  }
0x62: {  	v30 =	vimm.s32 $0x3F3E3D3C;
	v36 =	vunpack.c.0.s8.s32 v48;
	v34 =	vcombine.low v34, v37  }
0x63: {  	v30 =	vunpack.c.0.s8.s32 v30;
	v35 =	vsel vm7, v35, v32;
	v32 =	vunpack.c.0.s8.s32 v49  }
0x64: {  	v44 =	vsel vm7, v44, v42;
	v42 =	vunpack.c.0.s8.s32 v57;
	v49 =	vimm.s32 $0x68686766  }
0x65: {  	v46 =	vsel vm7, v38, v36;
	v38 =	vunpack.c.0.s8.s32 v51;
	v36 =	vunpack.c.0.s8.s32 v55  }
0x66: {  	v49 =	vunpack.c.0.s8.s32 v49;
	v55 =	vimm.s32 $0x1A00;
	v45 =	vsel vm7, v30, v28  }
0x67: {  	v28 =	vimm.s32 $0x4F4E4D4C;
	v30 =	vimm.s32 $0x52515050;
	v39 =	vcombine.low v39, v46  }
0x68: {  	v28 =	vunpack.c.0.s8.s32 v28;
	v30 =	vunpack.c.0.s8.s32 v30;
	v48 =	vsel vm7, v38, v32  }
0x69: {  	v32 =	vunpack.c.0.s8.s32 v54;
	v38 =	vunpack.c.0.s8.s32 v56;
	v54 =	vimm.s32 $0x0  }
0x6a: {  	v35 =	vcombine.low v35, v45;
	v56 =	vimm.s32 $0x8B;
	v44 =	vcombine.low v44, v48  }
0x6b: {  	v47 =	vsel vm7, v30, v28;
	v28 =	vunpack.c.0.s8.s32 v50;
	v30 =	vimm.s32 $0x726D6D6D  }
0x6c: {  	s5 =	rddreg [dreg:$0x0];
	v50 =	vimm.s32 $0x6C6B6A69;
	v32 =	vnsel vm10, $0x1C, v32;
	v51 =	vsel vm7, v42, v38  }
0x6d: {  	s4 =	rddreg [dreg:$0x1];
	v38 =	vunpack.c.0.s8.s32 v59;
	v42 =	vunpack.c.0.s8.s32 v60;
	v59 =	vimm.s32 $0xB80  }
0x6e: {  	s3 =	rddreg [dreg:$0x2];
	v50 =	vunpack.c.0.s8.s32 v50;
	v36 =	vsel vm7, v36, v32;
	v32 =	vunpack.c.0.s8.s32 v58  }
0x6f: {  	s2 =	rddreg [dreg:$0x3];
	v30 =	vunpack.c.0.s8.s32 v30;
	v60 =	vsel vm2, $0xA00, v59;
	v43 =	vcombine.low v47, v43  }
0x70: {  	s1 =	rddreg [dreg:$0x4];
	v28 =	vnsel vm10, $0x19, v28;
	v49 =	vsel vm7, v50, v49;
	v32 =	vnsel vm10, $0x1F, v32  }
0x71: {  	s0 =	rddreg [dreg:$0x5];
	v50 =	vunpack.c.0.s8.s32 v61;
	v30 =	vnsel vm10, $0x7C, v30;
	vm10 =	vcmask $0x2F20  }
0x72: {  	s6 =	srdreg.scid;
	s7 =	stileid.u32;
	v28 =	vsel vm7, $0x17, v28;
	v61 =	vimm.s32 $0x1B80;
	v52 =	vsel vm7, v38, v32  }
0x73: {  	s8 =	simm.s32 $0x0;
	s6 =	sand.u32 $0x1, s6;
	s7 =	sshll.u32 s7, $0x1;
	v32 =	vunpack.c.0.s8.s32 v62;
	v38 =	vunpack.c.0.s8.s32 v63;
	v30 =	vsel vm7, $0x72, v30  }
0x74: {  	[smem:$0x7FF] =	sst s8;
	s7 =	sor.u32 s6, s7;
	v28 =	vsel vm12, $0x18, v28;
	v31 =	vsel vm10, $0xB, v31;
	vm3 =	vmor vm8, vm10  }
0x75: {  	s9 =	sadd.s32 $0x1200, s5;
	s18 =	smul.u32 $0xA0, s7;
	s10 =	sshll.u32 s7, $0x2;
	vm8 =	vcmask $0x1B08;
	v62 =	vimm.s32 $0x9A;
	v46 =	vsel vm2, $0x1A00, v61  }
0x76: {  	s5 =	sadd.s32 $0x1780, s5;
	s11 =	sshll.u32 s7, $0x4;
	s10 =	sadd.s32 s9, s10;
	v63 =	vimm.s32 $0x0;
	v50 =	vsel vm7, v50, v42;
	v30 =	vsel vm12, $0x77, v30  }
0x77: {  	s19 =	sshrl.u32 s18, $0x3;
	_ =	strace $0x80000047;
	[dreg:$0x7] =	wrdreg s5;
	v47 =	vsel vm2, $0x8B, v62;
	vm2 =	vcmask $0x704;
	vm12 =	vcmask $0x3734  }
0x78: {  	s20 =	sadd.s32 $0x80, s10;
	s21 =	sadd.s32 s9, s19;
	[dreg:$0x14] =	wrdreg s10;
	v53 =	vsel vm7, v38, v32;
	vm7 =	vcmask $0x700;
	v38 =	vimm.s32 $0xA00  }
0x79: {  	s22 =	sadd.s32 s11, s9;
	s23 =	sadd.s32 $0x100, s21;
	[dreg:$0x8] =	wrdreg s20;
	v32 =	vsel vm10, $0x36, v33;
	v33 =	vsel vm3, $0xFFFFFFFF, v54;
	vm3 =	vcmask $0xB08  }
0x7a: {  	s7 =	sshll.u32 s7, $0xA;
	s8 =	sadd.s32 $0x380, s22;
	[dreg:$0x9] =	wrdreg s23;
	v42 =	vsel vm7, $0x880, v38;
	[tilespmem:$0x1FFE0] =	vst v33;
	v33 =	vsel vm10, $0x1B, v36;
	v36 =	vsel vm7, $0x1880, v55  }
0x7b: {  	s4 =	sadd.s32 s4, s7;
	[dreg:$0xa] =	wrdreg s8;
	v37 =	vsel vm7, $0x7C, v56;
	vm7 =	vcmask $0x33C;
	v38 =	vsel vm8, $0x900, v42  }
0x7c: {  	s3 =	sadd.s32 s3, s19;
	[dreg:$0xb] =	wrdreg s4;
	v57 =	vsel vm8, $0x1900, v36;
	v58 =	vsel vm8, $0x81, v37;
	vm8 =	vcmask $0x2F1C  }
0x7d: {  	s2 =	sadd.s32 s2, s19;
	[dreg:$0xc] =	wrdreg s3;
	vm10 =	vcmask $0x2724;
	vm7 =	vmor vm7, vm0;
	v36 =	vsel vm8, $0x980, v38  }
0x7e: {  	s1 =	sadd.s32 s1, s19;
	[dreg:$0xd] =	wrdreg s2;
	v37 =	vsel vm8, $0x1980, v57;
	v38 =	vsel vm8, $0x86, v58;
	vm8 =	vcmask $0x2B20  }
0x7f: {  	s0 =	sadd.s32 s0, s19;
	[dreg:$0xe] =	wrdreg s1;
	vm0 =	vmor vm7, vm1;
	vm7 =	vcmask $0x2B28;
	v40 =	vsel vm8, $0xE, v40  }
0x80: {  	s28 =	simm.s32 $0x2300;
	[dreg:$0xf] =	wrdreg s0;
	v41 =	vsel vm8, $0x45, v41;
	v42 =	vsel vm8, $0x1E, v52;
	vm8 =	vcmask $0x1704  }
0x81: {  	s29 =	simm.s32 $0x2400;
	s24 =	ssub.s32 $0x2, s6;
	[dreg:$0x10] =	wrdreg s28;
	vm1 =	vcmask $0x2F2C;
	v48 =	vsel vm0, $0xFFFFFFFF, v63;
	v45 =	vsel vm8, $0xA80, v60  }
0x82: {  	s30 =	simm.s32 $0x2500;
	s25 =	sshrl.u32 s24, $0x1;
	[dreg:$0x11] =	wrdreg s29;
	v46 =	vsel vm8, $0x1A80, v46;
	v47 =	vsel vm8, $0x90, v47;
	vm8 =	vcmask $0x2B18  }
0x83: {  	s31 =	simm.s32 $0x2600;
	s26 =	ssub.s32 s24, s25;
	[dreg:$0x12] =	wrdreg s30;
	[tilespmem:$0x1FFF0] =	vst v48;
	v48 =	vcombine.low v49, v51;
	v49 =	vcombine.low v53, v50;
	v45 =	vsel vm8, $0xB00, v45  }
0x84: {  	s1 =	smax.u32 s26, $0x1;
	[dreg:$0x13] =	wrdreg s31;
	v46 =	vsel vm8, $0x1B00, v46;
	v47 =	vsel vm8, $0x95, v47;
	vm8 =	vcmask $0x3330  }
.LBB2_1:
0x85: {  	[dreg:$0x15] =	wrdreg s1  }
0x86: {  	s0 =	rddreg [dreg:$0x7];
	s2 =	simm.s32 $0x0  }
0x87: {  	[tilespmem:s2], [sflag:$0x1] =	stream.linear.gather [hbm4b:s0+s2], $0x10, $0x38;
	[tilespmem:$0x2700] =	vst v63  }
0x88: {  	s12 =	rddreg [dreg:$0x14];
	s3 =	simm.s32 $0x80  }
0x89: {  	[tilespmem:s3], [sflag:$0x1] =	stream.linear.gather [hbm4b:s12+s2], $0x20, $0x38;
	[tilespmem:$0x2700] =	vst v63  }
0x8a: {  	s11 =	rddreg [dreg:$0x8];
	s14 =	simm.s32 $0x100  }
0x8b: {  	[tilespmem:s14], [sflag:$0x1] =	stream.linear.gather [hbm4b:s11+s2], $0x20, $0x38;
	[tilespmem:$0x2700] =	vst v63  }
0x8c: {  	s13 =	rddreg [dreg:$0x9];
	s16 =	simm.s32 $0x180  }
0x8d: {  	[tilespmem:s16], [sflag:$0x1] =	stream.linear.gather [hbm4b:s13+s2], $0xA0, $0x38;
	[tilespmem:$0x2700] =	vst v63  }
0x8e: {  	s15 =	rddreg [dreg:$0xa];
	s18 =	simm.s32 $0x280  }
0x8f: {  	[tilespmem:s18], [sflag:$0x1] =	stream.linear.gather [hbm4b:s15+s2], $0x80, $0x38;
	[tilespmem:$0x2700] =	vst v63  }
0x90: {  	s17 =	rddreg [dreg:$0xb];
	s19 =	simm.s32 $0x300;
	s20 =	simm.s32 $0x1  }
0x91: {  	[tilespmem:s19], [sflag:$0x1] =	stream.linear.gather [hbm4b:s17+s2], $0x2000, $0x38;
	[tilespmem:$0x2700] =	vst v63  }
0x92: {  	_ =	swait.ge [sflag:s20], $0x10  }
0x93: {  	[sflag:s20] =	ssyncset.done $0x0  }
0x94: {  	[sflag:s20] =	ssyncadd.s32 $0xFFFFFFF0  }
0x95: {  	_ =	swait.ge [sflag:s20], $0x20  }
0x96: {  	[sflag:s20] =	ssyncset.done $0x0  }
0x97: {  	[sflag:s20] =	ssyncadd.s32 $0xFFFFFFE0  }
0x98: {  	_ =	swait.ge [sflag:s20], $0x20  }
0x99: {  	[sflag:s20] =	ssyncset.done $0x0  }
0x9a: {  	[sflag:s20] =	ssyncadd.s32 $0xFFFFFFE0  }
0x9b: {  	_ =	swait.ge [sflag:s20], $0xA0  }
0x9c: {  	[sflag:s20] =	ssyncset.done $0x0  }
0x9d: {  	[sflag:s20] =	ssyncadd.s32 $0xFFFFFF60  }
0x9e: {  	_ =	swait.ge [sflag:s20], $0x80  }
0x9f: {  	[sflag:s20] =	ssyncset.done $0x0  }
0xa0: {  	[sflag:s20] =	ssyncadd.s32 $0xFFFFFF80  }
0xa1: {  	_ =	swait.ge [sflag:s20], $0x2000  }
0xa2: {  	[sflag:s20] =	ssyncset.done $0x0  }
0xa3: {  	s5 =	simm.s32 $0x100;
	[sflag:s20] =	ssyncadd.s32 $0xFFFFE000  }
0xa4: {  	s4 =	simm.s32 $0x80;
	v53 =	vld.idx.msk [tilespmem:v0+s5+$0x0], $0xffff  }
0xa5: {  	v51 =	vld.idx.msk [tilespmem:v0+s4+$0x0], $0xffff;
	_ =	sdelay $0x2  }
0xa6: {  	v50 =	vld [tilespmem:$0x0];
	_ =	sdelay $0x1  }
0xa7: {  	v51 =	vadd.s32 v53, v51  }
0xa8: {  	v52 =	vadd.s32 v1, v51  }
0xa9: {  	(v2sf) =	vpush v52, $0x0  }
0xaa: {  	(v2sf) =	vpush v50, $0x0;
	_ =	sdelay $0x1  }
0xab: {  	(v2sf) =	vpush v52, $0xF  }
0xac: {  	(v2sf) =	vpush v50, $0xF;
	_ =	sdelay $0x3  }
0xad: {  	(v2sf) =	vpush v52, $0x1  }
0xae: {  	(v2sf) =	vpush v50, $0x1  }
0xaf: {  	(v2sf) =	vpush v52, $0x2;
	_ =	sdelay $0x1  }
0xb0: {  	(v2sf) =	vpush v50, $0x2  }
0xb1: {  	(v2sf) =	vpush v52, $0x3;
	_ =	sdelay $0x1  }
0xb2: {  	s21 =	spop (v2sf)  }
0xb3: {  	(v2sf) =	vpush v50, $0x3;
	s0 =	sshra.s32 s21, $0x1F;
	s22 =	spop (v2sf)  }
0xb4: {  	(v2sf) =	vpush v52, $0x4;
	s1 =	sxor.u32 s0, s21;
	s12 =	sshra.s32 s22, $0x1F  }
0xb5: {  	(v2sf) =	vpush v50, $0x4;
	s25 =	spop (v2sf);
	s23 =	ssub.s32 s1, s0;
	s24 =	sxor.u32 s12, s22  }
0xb6: {  	(v2sf) =	vpush v52, $0x5;
	s1 =	sshra.s32 s25, $0x1F;
	s28 =	spop (v2sf);
	s26 =	ssub.s32 s24, s12  }
0xb7: {  	(v2sf) =	vpush v50, $0x5;
	s0 =	sxor.u32 s12, s0;
	s14 =	sshra.s32 s28, $0x1F;
	(drf) =	sdiv.u32 s23, s26  }
0xb8: {  	s2 =	sxor.u32 s1, s25;
	s29 =	sxor.u32 s14, s28;
	(v2sf) =	vpush v52, $0x6;
	[smem:$0x7F6] =	sst s14  }
0xb9: {  	s2 =	ssub.s32 s2, s1;
	s6 =	ssub.s32 s29, s14;
	[smem:$0x7F5] =	sst s12  }
0xba: {  	s1 =	sxor.u32 s14, s1;
	s30 =	spop (v2sf);
	[smem:$0x7F1] =	sst s6  }
0xbb: {  	(drf) =	sdiv.u32 s2, s6;
	s3 =	sshra.s32 s30, $0x1F;
	s31 =	spop (v2sf)  }
0xbc: {  	s6 =	sxor.u32 s3, s30;
	s13 =	sshra.s32 s31, $0x1F;
	s8 =	spop (v2sf)  }
0xbd: {  	s2 =	ssub.s32 s6, s3;
	s7 =	sxor.u32 s13, s31;
	[smem:$0x7F8] =	sst s13  }
0xbe: {  	s4 =	sshra.s32 s8, $0x1F;
	s9 =	spop (v2sf);
	s3 =	sxor.u32 s13, s3  }
0xbf: {  	s7 =	ssub.s32 s7, s13;
	s10 =	sxor.u32 s4, s8;
	s16 =	spop (v2sf)  }
0xc0: {  	(v2sf) =	vpush v50, $0x6;
	s15 =	sshra.s32 s9, $0x1F;
	[smem:$0x7F2] =	sst s7;
	(drf) =	sdiv.u32 s2, s7  }
0xc1: {  	s2 =	ssub.s32 s10, s4;
	s11 =	sxor.u32 s15, s9;
	[smem:$0x7F9] =	sst s15  }
0xc2: {  	s5 =	sshra.s32 s16, $0x1F;
	s17 =	spop (v2sf);
	s8 =	ssub.s32 s11, s15  }
0xc3: {  	s18 =	sxor.u32 s5, s16;
	s16 =	sshra.s32 s17, $0x1F;
	[dreg:$0x1a] =	wrdreg s8  }
0xc4: {  	(drf) =	sdiv.u32 s2, s8;
	s2 =	ssub.s32 s18, s5;
	s19 =	sxor.u32 s16, s17  }
0xc5: {  	[smem:$0x7FA] =	sst s16;
	s20 =	spop (v2sf);
	s9 =	ssub.s32 s19, s16  }
0xc6: {  	s5 =	sxor.u32 s16, s5;
	[smem:$0x7F3] =	sst s9;
	s6 =	sshra.s32 s20, $0x1F  }
0xc7: {  	s21 =	spop (v2sf);
	(drf) =	sdiv.u32 s2, s9;
	s22 =	sxor.u32 s6, s20  }
0xc8: {  	s17 =	sshra.s32 s21, $0x1F;
	s24 =	spop (v2sf);
	s2 =	ssub.s32 s22, s6  }
0xc9: {  	s23 =	sxor.u32 s17, s21;
	[dreg:$0x16] =	wrdreg s17;
	s25 =	spop (v2sf)  }
0xca: {  	(v2sf) =	vpush v52, $0x7;
	s7 =	sshra.s32 s24, $0x1F;
	s21 =	spop (drf);
	s14 =	sxor.u32 s17, s6  }
0xcb: {  	(v2sf) =	vpush v50, $0x7;
	s10 =	ssub.s32 s23, s17;
	s28 =	sxor.u32 s7, s24;
	s19 =	sshra.s32 s25, $0x1F  }
0xcc: {  	(v2sf) =	vpush v52, $0x8;
	s22 =	sxor.u32 s0, s21;
	s23 =	spop (drf);
	[smem:$0x7F4] =	sst s10  }
0xcd: {  	(drf) =	sdiv.u32 s2, s10;
	s2 =	ssub.s32 s28, s7;
	s9 =	sxor.u32 s19, s25  }
0xce: {  	[smem:$0x7FB] =	sst s19;
	s29 =	spop (v2sf);
	s18 =	ssub.s32 s9, s19  }
0xcf: {  	s0 =	ssub.s32 s22, s0;
	s30 =	spop (v2sf);
	(drf) =	sdiv.u32 s2, s18  }
0xd0: {  	s24 =	sxor.u32 s1, s23;
	s11 =	sshra.s32 s29, $0x1F;
	(v2sf) =	vpush v50, $0x8;
	s20 =	sshra.s32 s30, $0x1F  }
0xd1: {  	s16 =	sxor.u32 s19, s7;
	s8 =	sxor.u32 s11, s29;
	(v2sf) =	vpush v52, $0x9;
	s31 =	sxor.u32 s20, s30  }
0xd2: {  	s25 =	spop (drf);
	s10 =	ssub.s32 s8, s11;
	(v2sf) =	vpush v50, $0x9;
	s30 =	ssub.s32 s31, s20  }
0xd3: {  	[dreg:$0x17] =	wrdreg s18;
	s18 =	smov.u32 s12;
	(drf) =	sdiv.u32 s10, s30  }
0xd4: {  	s2 =	ssub.s32 s24, s1;
	s1 =	sxor.u32 s3, s25;
	s28 =	spop (drf);
	(v2sf) =	vpush v52, $0xA  }
0xd5: {  	s29 =	sxor.u32 s15, s4;
	s4 =	ssub.s32 s1, s3;
	[smem:$0x7FC] =	sst s20  }
0xd6: {  	s8 =	sxor.u32 s29, s28;
	s21 =	sxor.u32 s20, s11;
	s31 =	spop (drf)  }
0xd7: {  	s22 =	ssub.s32 s8, s29;
	(v2sf) =	vpush v50, $0xA;
	s12 =	sxor.u32 s5, s31;
	s13 =	spop (drf)  }
0xd8: {  	s10 =	ssub.s32 s12, s5;
	(v2sf) =	vpush v52, $0xB;
	s1 =	sxor.u32 s14, s13;
	s15 =	spop (drf)  }
0xd9: {  	s25 =	ssub.s32 s1, s14;
	s23 =	spop (v2sf);
	s17 =	sxor.u32 s16, s15  }
0xda: {  	s31 =	sshra.s32 s23, $0x1F;
	s28 =	spop (v2sf);
	s24 =	ssub.s32 s17, s16  }
0xdb: {  	v54 =	vmov s2;
	(v2sf) =	vpush v50, $0xB;
	s5 =	sxor.u32 s31, s23;
	s23 =	sshra.s32 s28, $0x1F;
	s8 =	spop (v2sf)  }
0xdc: {  	v54 =	vsel vm9, s0, v54;
	(v2sf) =	vpush v52, $0xC;
	s1 =	ssub.s32 s5, s31;
	s7 =	sxor.u32 s23, s28;
	s19 =	spop (drf)  }
0xdd: {  	v54 =	vsel vm2, s4, v54;
	s4 =	sxor.u32 s23, s31;
	s6 =	ssub.s32 s7, s23;
	s3 =	sxor.u32 s21, s19  }
0xde: {  	(v2sf) =	vpush v50, $0xC;
	[smem:$0x7EC] =	sst s6;
	s29 =	ssub.s32 s3, s21;
	s21 =	sshra.s32 s8, $0x1F  }
0xdf: {  	(drf) =	sdiv.u32 s1, s6;
	s9 =	spop (v2sf);
	s11 =	sxor.u32 s21, s8  }
0xe0: {  	(v2sf) =	vpush v52, $0xD;
	s19 =	sshra.s32 s9, $0x1F;
	s12 =	spop (v2sf);
	s1 =	ssub.s32 s11, s21  }
0xe1: {  	s3 =	sxor.u32 s19, s9;
	[smem:$0x7FD] =	sst s19;
	s14 =	spop (v2sf)  }
0xe2: {  	(v2sf) =	vpush v50, $0xD;
	s5 =	sshra.s32 s12, $0x1F;
	s21 =	sxor.u32 s19, s21;
	s13 =	ssub.s32 s3, s19  }
0xe3: {  	(v2sf) =	vpush v52, $0xE;
	s15 =	sxor.u32 s5, s12;
	s28 =	sshra.s32 s14, $0x1F;
	s16 =	spop (v2sf)  }
0xe4: {  	[dreg:$0x18] =	wrdreg s13;
	(drf) =	sdiv.u32 s1, s13;
	s1 =	ssub.s32 s15, s5  }
0xe5: {  	(v2sf) =	vpush v50, $0xE;
	s3 =	sxor.u32 s28, s14;
	[smem:$0x7EF] =	sst s28;
	s7 =	sshra.s32 s16, $0x1F  }
0xe6: {  	s20 =	spop (v2sf);
	s5 =	sxor.u32 s28, s5;
	s17 =	ssub.s32 s3, s28  }
0xe7: {  	s11 =	sxor.u32 s7, s16;
	s6 =	sshra.s32 s20, $0x1F;
	s12 =	spop (v2sf)  }
0xe8: {  	[dreg:$0x19] =	wrdreg s17;
	(drf) =	sdiv.u32 s1, s17;
	s1 =	ssub.s32 s11, s7  }
0xe9: {  	s3 =	sxor.u32 s6, s20;
	[smem:$0x7E8] =	sst s6;
	s11 =	sshra.s32 s12, $0x1F  }
0xea: {  	s14 =	spop (v2sf);
	s7 =	sxor.u32 s6, s7;
	s13 =	ssub.s32 s3, s6  }
0xeb: {  	s15 =	sxor.u32 s11, s12;
	s8 =	sshra.s32 s14, $0x1F;
	s16 =	spop (v2sf)  }
0xec: {  	[dreg:$0x1b] =	wrdreg s13;
	(drf) =	sdiv.u32 s1, s13;
	s1 =	ssub.s32 s15, s11  }
0xed: {  	s3 =	sxor.u32 s8, s14;
	s12 =	sshra.s32 s16, $0x1F;
	s17 =	spop (v2sf)  }
0xee: {  	s11 =	sxor.u32 s8, s11;
	s3 =	ssub.s32 s3, s8;
	s9 =	sxor.u32 s12, s16  }
0xef: {  	s20 =	sshra.s32 s17, $0x1F;
	s14 =	spop (v2sf);
	[smem:$0x7ED] =	sst s3  }
0xf0: {  	(drf) =	sdiv.u32 s1, s3;
	s1 =	ssub.s32 s9, s12;
	s13 =	sxor.u32 s20, s17  }
0xf1: {  	s9 =	sshra.s32 s14, $0x1F;
	s17 =	spop (v2sf);
	s16 =	ssub.s32 s13, s20  }
0xf2: {  	s15 =	sxor.u32 s9, s14;
	s13 =	spop (v2sf);
	[smem:$0x7EE] =	sst s16  }
0xf3: {  	(drf) =	sdiv.u32 s1, s16;
	s15 =	ssub.s32 s15, s9;
	s16 =	sshra.s32 s17, $0x1F  }
0xf4: {  	s14 =	sxor.u32 s16, s17;
	s17 =	sshra.s32 s13, $0x1F;
	s3 =	spop (v2sf)  }
0xf5: {  	s0 =	smov.u32 s16;
	[smem:$0x7EA] =	sst s16;
	s2 =	sshra.s32 s3, $0x1F  }
0xf6: {  	s14 =	ssub.s32 s14, s16;
	s13 =	sxor.u32 s17, s13;
	s1 =	sxor.u32 s2, s3  }
0xf7: {  	(drf) =	sdiv.u32 s15, s14;
	s13 =	ssub.s32 s13, s17;
	s16 =	ssub.s32 s1, s2  }
0xf8: {  	v54 =	vsel vm3, s22, v54;
	s12 =	sxor.u32 s20, s12;
	s15 =	spop (drf);
	(drf) =	sdiv.u32 s13, s16  }
0xf9: {  	v54 =	vsel vm4, s10, v54;
	[smem:$0x7E9] =	sst s20;
	s9 =	sxor.u32 s0, s9;
	s22 =	spop (drf)  }
0xfa: {  	v54 =	vsel vm6, s25, v54;
	s3 =	smov.u32 s2;
	[smem:$0x7EB] =	sst s2;
	s28 =	spop (drf)  }
0xfb: {  	v54 =	vsel vm15, s24, v54;
	s2 =	sxor.u32 s5, s28;
	[smem:$0x7F7] =	sst s16;
	s16 =	sxor.u32 s4, s15  }
0xfc: {  	v54 =	vsel vm5, s29, v54;
	s29 =	sxor.u32 s3, s17;
	s15 =	sxor.u32 s21, s22;
	s10 =	ssub.s32 s16, s4  }
0xfd: {  	s5 =	ssub.s32 s2, s5;
	s31 =	ssub.s32 s15, s21;
	s4 =	spop (drf);
	v54 =	vsel vm11, s10, v54  }
0xfe: {  	s2 =	smov.u32 s20;
	s6 =	sxor.u32 s7, s4;
	s15 =	spop (drf);
	v54 =	vsel vm14, s31, v54  }
0xff: {  	s16 =	sxor.u32 s11, s15;
	s19 =	spop (drf);
	s20 =	ssub.s32 s6, s7;
	v54 =	vsel vm10, s5, v54  }
0x100: {  	s21 =	ssub.s32 s16, s11;
	s22 =	sxor.u32 s12, s19;
	v54 =	vsel vm7, s20, v54;
	s25 =	spop (drf)  }
0x101: {  	s24 =	ssub.s32 s22, s12;
	v54 =	vsel vm1, s21, v54;
	s28 =	sxor.u32 s9, s25;
	s31 =	spop (drf)  }
0x102: {  	v54 =	vsel vm8, s24, v54;
	s0 =	ssub.s32 s28, s9;
	s3 =	sxor.u32 s29, s31  }
0x103: {  	v54 =	vsel vm12, s0, v54;
	s4 =	ssub.s32 s3, s29  }
0x104: {  	v54 =	vsel vm13, s4, v54  }
0x105: {  	v55 =	vshll.u32 v54, $0x3  }
0x106: {  	v53 =	vadd.s32 v12, v53;
	v56 =	vand.u32 $0x7F, v54;
	v55 =	vand.u32 $0xFFFFFC00, v55  }
0x107: {  	v55 =	vor.u32 v55, v56  }
0x108: {  	v55 =	vor.u32 v11, v55;
	_ =	sdelay $0x1  }
0x109: {  	v59 =	vld [tilespmem:$0x1FFF0];
	s6 =	simm.s32 $0x180  }
0x10a: {  	s7 =	simm.s32 $0x280;
	v53 =	vld.idx.msk [tilespmem:v53+s6+$0x0], $0xffff  }
0x10b: {  	s5 =	simm.s32 $0x300;
	v63 =	vld.idx.msk [tilespmem:v22+s7+$0x0], $0xffff  }
0x10c: {  	v55 =	vld.idx.msk [tilespmem:v55+s5+$0x0], $0xffff;
	_ =	sdelay $0x3  }
0x10d: {  	vm0 =	vnez.u8 v59  }
0x10e: {  	v53 =	vsel vm0, v53, v63;
	v54 =	vsub.s32 v55, v54  }
0x10f: {  	[tilespmem:$0x2300] =	vst v53;
	v54 =	vmul.u32 v50, v54  }
0x110: {  	v51 =	vadd.s32 v2, v51;
	[tilespmem:$0x2400] =	vst v52  }
0x111: {  	[tilespmem:$0x2500] =	vst v51;
	v52 =	vadd.s32 v52, v54  }
0x112: {  	s1 =	smov.u32 s8;
	s8 =	simm.s32 $0x100;
	[tilespmem:$0x2600] =	vst v52  }
0x113: {  	s9 =	simm.s32 $0x80;
	v53 =	vld.idx.msk [tilespmem:v16+s8+$0x0], $0xffff  }
0x114: {  	v51 =	vld.idx.msk [tilespmem:v16+s9+$0x0], $0xffff;
	_ =	sdelay $0x4  }
0x115: {  	v51 =	vadd.s32 v53, v51  }
0x116: {  	v52 =	vadd.s32 v3, v51  }
0x117: {  	(v2sf) =	vpush v52, $0x0;
	_ =	sdelay $0x1  }
0x118: {  	(v2sf) =	vpush v52, $0xF  }
0x119: {  	(v2sf) =	vpush v52, $0x1  }
0x11a: {  	(v2sf) =	vpush v52, $0x2;
	_ =	sdelay $0x3  }
0x11b: {  	(v2sf) =	vpush v52, $0x3  }
0x11c: {  	(v2sf) =	vpush v52, $0x4;
	_ =	sdelay $0x5  }
0x11d: {  	s10 =	spop (v2sf)  }
0x11e: {  	[dreg:$0x1c] =	wrdreg s14;
	(v2sf) =	vpush v52, $0x5;
	s11 =	sshra.s32 s10, $0x1F  }
0x11f: {  	s4 =	sld [smem:$0x7F1];
	(v2sf) =	vpush v52, $0x6;
	s12 =	spop (v2sf);
	s5 =	sxor.u32 s11, s10  }
0x120: {  	s13 =	sshra.s32 s12, $0x1F;
	s14 =	spop (v2sf);
	s5 =	ssub.s32 s5, s11  }
0x121: {  	s15 =	sxor.u32 s13, s12;
	s16 =	sshra.s32 s14, $0x1F;
	s3 =	spop (v2sf)  }
0x122: {  	(drf) =	sdiv.u32 s5, s26;
	s5 =	ssub.s32 s15, s13;
	s10 =	sxor.u32 s16, s14  }
0x123: {  	(v2sf) =	vpush v52, $0x7;
	(drf) =	sdiv.u32 s5, s4;
	s6 =	ssub.s32 s10, s16;
	s10 =	sld [smem:$0x7F2]  }
0x124: {  	s19 =	rddreg [dreg:$0x1a];
	s8 =	sshra.s32 s3, $0x1F  }
0x125: {  	s28 =	sld [smem:$0x7F4];
	s14 =	spop (v2sf);
	s12 =	sxor.u32 s8, s3  }
0x126: {  	s17 =	spop (v2sf);
	s5 =	ssub.s32 s12, s8;
	(drf) =	sdiv.u32 s6, s10  }
0x127: {  	s15 =	sshra.s32 s14, $0x1F;
	s6 =	sld [smem:$0x7F3];
	(drf) =	sdiv.u32 s5, s19  }
0x128: {  	s25 =	sxor.u32 s18, s11;
	s20 =	sxor.u32 s15, s14;
	s21 =	sshra.s32 s17, $0x1F  }
0x129: {  	(v2sf) =	vpush v52, $0x8;
	s18 =	sld [smem:$0x7F8];
	s22 =	sxor.u32 s21, s17;
	s5 =	ssub.s32 s20, s15  }
0x12a: {  	(v2sf) =	vpush v52, $0x9;
	s24 =	ssub.s32 s22, s21;
	s20 =	sld [smem:$0x7F6];
	(drf) =	sdiv.u32 s5, s6  }
0x12b: {  	(v2sf) =	vpush v52, $0xA;
	(drf) =	sdiv.u32 s24, s28;
	s29 =	spop (drf)  }
0x12c: {  	s19 =	sld [smem:$0x7F9];
	s7 =	sxor.u32 s25, s29;
	s0 =	spop (drf)  }
0x12d: {  	(v2sf) =	vpush v52, $0xB;
	s17 =	rddreg [dreg:$0x16];
	s10 =	ssub.s32 s7, s25;
	s25 =	spop (v2sf)  }
0x12e: {  	s9 =	sxor.u32 s18, s16;
	s21 =	sxor.u32 s17, s21;
	s29 =	spop (v2sf)  }
0x12f: {  	s31 =	sxor.u32 s20, s13;
	s13 =	sxor.u32 s19, s8;
	s3 =	spop (drf)  }
0x130: {  	(v2sf) =	vpush v52, $0xC;
	s7 =	sxor.u32 s31, s0;
	s11 =	sxor.u32 s9, s3;
	s8 =	spop (drf)  }
0x131: {  	s5 =	ssub.s32 s11, s9;
	s11 =	sxor.u32 s13, s8;
	s8 =	sld [smem:$0x7FA]  }
0x132: {  	s0 =	sld [smem:$0x7ED];
	s16 =	ssub.s32 s7, s31;
	s31 =	spop (v2sf)  }
0x133: {  	s12 =	sshra.s32 s25, $0x1F;
	s3 =	rddreg [dreg:$0x17];
	s14 =	spop (drf)  }
0x134: {  	s7 =	ssub.s32 s11, s13;
	s22 =	spop (drf);
	s13 =	sxor.u32 s8, s15  }
0x135: {  	s24 =	sxor.u32 s21, s22;
	s15 =	sshra.s32 s29, $0x1F;
	s11 =	sxor.u32 s13, s14  }
0x136: {  	s14 =	sxor.u32 s15, s29;
	s9 =	ssub.s32 s11, s13;
	s11 =	ssub.s32 s24, s21  }
0x137: {  	s13 =	sxor.u32 s12, s25;
	s21 =	sshra.s32 s31, $0x1F;
	s14 =	ssub.s32 s14, s15  }
0x138: {  	(v2sf) =	vpush v52, $0xD;
	s24 =	spop (v2sf);
	s25 =	sld [smem:$0x7EC];
	s13 =	ssub.s32 s13, s12  }
0x139: {  	(v2sf) =	vpush v52, $0xE;
	s17 =	sxor.u32 s21, s31;
	s29 =	spop (v2sf);
	(drf) =	sdiv.u32 s13, s3  }
0x13a: {  	s22 =	ssub.s32 s17, s21;
	s13 =	sshra.s32 s24, $0x1F;
	s31 =	spop (v2sf)  }
0x13b: {  	s3 =	rddreg [dreg:$0x18];
	(drf) =	sdiv.u32 s14, s30;
	s14 =	sxor.u32 s13, s24  }
0x13c: {  	s24 =	spop (v2sf);
	(drf) =	sdiv.u32 s22, s25;
	s22 =	sshra.s32 s29, $0x1F  }
0x13d: {  	s14 =	ssub.s32 s14, s13;
	s25 =	sshra.s32 s31, $0x1F;
	s17 =	sxor.u32 s22, s29  }
0x13e: {  	(drf) =	sdiv.u32 s14, s3;
	s31 =	sxor.u32 s25, s31;
	s3 =	rddreg [dreg:$0x19]  }
0x13f: {  	s29 =	ssub.s32 s17, s22;
	s17 =	ssub.s32 s31, s25;
	s31 =	spop (v2sf)  }
0x140: {  	s14 =	sshra.s32 s24, $0x1F;
	(drf) =	sdiv.u32 s29, s3;
	s29 =	rddreg [dreg:$0x1b]  }
0x141: {  	s3 =	sld [smem:$0x7FB];
	(drf) =	sdiv.u32 s17, s29;
	s17 =	sxor.u32 s14, s24  }
0x142: {  	s29 =	sshra.s32 s31, $0x1F;
	s17 =	ssub.s32 s17, s14  }
0x143: {  	[dreg:$0x1d] =	wrdreg s23;
	s24 =	sxor.u32 s29, s31;
	(drf) =	sdiv.u32 s17, s0  }
0x144: {  	s12 =	sxor.u32 s3, s12;
	s17 =	sld [smem:$0x7EE];
	s31 =	spop (drf)  }
0x145: {  	s0 =	sxor.u32 s12, s31;
	s31 =	sld [smem:$0x7FC]  }
0x146: {  	[dreg:$0x1e] =	wrdreg s1;
	v60 =	vmov s16;
	s24 =	ssub.s32 s24, s29  }
0x147: {  	v54 =	vsel vm9, s10, v60;
	(drf) =	sdiv.u32 s24, s17;
	s17 =	spop (v2sf)  }
0x148: {  	v54 =	vsel vm2, s5, v54;
	s24 =	sshra.s32 s17, $0x1F;
	s15 =	sxor.u32 s31, s15;
	s31 =	spop (v2sf)  }
0x149: {  	v54 =	vsel vm3, s7, v54;
	s7 =	sxor.u32 s23, s21;
	s16 =	sxor.u32 s24, s17;
	s17 =	spop (drf)  }
0x14a: {  	s12 =	ssub.s32 s0, s12;
	s0 =	sshra.s32 s31, $0x1F;
	s17 =	sxor.u32 s15, s17  }
0x14b: {  	s16 =	ssub.s32 s16, s24;
	s5 =	ssub.s32 s17, s15;
	s15 =	rddreg [dreg:$0x1c]  }
0x14c: {  	s31 =	sxor.u32 s0, s31;
	s17 =	sld [smem:$0x7F7];
	(drf) =	sdiv.u32 s16, s15  }
0x14d: {  	v54 =	vsel vm4, s9, v54;
	s21 =	spop (drf);
	s16 =	ssub.s32 s31, s0;
	s31 =	sld [smem:$0x7FD]  }
0x14e: {  	v54 =	vsel vm6, s11, v54;
	s11 =	sld [smem:$0x7E8];
	s15 =	spop (drf)  }
0x14f: {  	(drf) =	sdiv.u32 s16, s17;
	s17 =	sld [smem:$0x7EF]  }
0x150: {  	s23 =	sxor.u32 s7, s21;
	s21 =	spop (drf);
	s10 =	sxor.u32 s31, s13  }
0x151: {  	v54 =	vsel vm15, s12, v54;
	s7 =	ssub.s32 s23, s7;
	s12 =	spop (drf);
	s16 =	sxor.u32 s10, s15  }
0x152: {  	v54 =	vsel vm5, s5, v54;
	s13 =	sxor.u32 s17, s22;
	s17 =	sxor.u32 s2, s29;
	s2 =	sld [smem:$0x7EA]  }
0x153: {  	v54 =	vsel vm11, s7, v54;
	s15 =	spop (drf);
	s22 =	ssub.s32 s16, s10;
	s23 =	sxor.u32 s13, s21  }
0x154: {  	s14 =	sxor.u32 s1, s14;
	v54 =	vsel vm14, s22, v54;
	s21 =	spop (drf);
	s31 =	ssub.s32 s23, s13  }
0x155: {  	s10 =	sxor.u32 s11, s25;
	v54 =	vsel vm10, s31, v54;
	s31 =	sxor.u32 s2, s24;
	s1 =	spop (drf)  }
0x156: {  	s13 =	sxor.u32 s10, s12;
	s11 =	sxor.u32 s31, s1;
	s1 =	sld [smem:$0x7EB]  }
0x157: {  	s16 =	sxor.u32 s14, s15;
	s22 =	ssub.s32 s13, s10  }
0x158: {  	s23 =	ssub.s32 s16, s14;
	s25 =	sxor.u32 s17, s21;
	v54 =	vsel vm7, s22, v54  }
0x159: {  	s29 =	ssub.s32 s25, s17;
	v54 =	vsel vm1, s23, v54;
	s12 =	spop (drf);
	s0 =	sxor.u32 s1, s0  }
0x15a: {  	v54 =	vsel vm8, s29, v54;
	s13 =	ssub.s32 s11, s31;
	s14 =	sxor.u32 s0, s12  }
0x15b: {  	v54 =	vsel vm12, s13, v54;
	s0 =	ssub.s32 s14, s0  }
0x15c: {  	v54 =	vsel vm13, s0, v54  }
0x15d: {  	v61 =	vshll.u32 v54, $0x3  }
0x15e: {  	v53 =	vadd.s32 v18, v53;
	v62 =	vand.u32 $0x7F, v54;
	v55 =	vand.u32 $0xFFFFFC00, v61  }
0x15f: {  	v55 =	vor.u32 v55, v62  }
0x160: {  	v55 =	vor.u32 v17, v55;
	_ =	sdelay $0x1  }
0x161: {  	v59 =	vld [tilespmem:$0x1FFB0];
	s16 =	simm.s32 $0x180  }
0x162: {  	v53 =	vld.idx.msk [tilespmem:v53+s16+$0x0], $0xffff;
	s17 =	simm.s32 $0x280  }
0x163: {  	s15 =	simm.s32 $0x300;
	v63 =	vld.idx.msk [tilespmem:v23+s17+$0x0], $0xffff  }
0x164: {  	v55 =	vld.idx.msk [tilespmem:v55+s15+$0x0], $0xffff;
	_ =	sdelay $0x3  }
0x165: {  	vm0 =	vnez.u8 v59  }
0x166: {  	v53 =	vsel vm0, v63, v53;
	v54 =	vsub.s32 v55, v54  }
0x167: {  	[tilespmem:$0x2310] =	vst v53;
	v54 =	vmul.u32 v50, v54  }
0x168: {  	v51 =	vadd.s32 v4, v51;
	[tilespmem:$0x2410] =	vst v52  }
0x169: {  	[tilespmem:$0x2510] =	vst v51;
	v52 =	vadd.s32 v52, v54  }
0x16a: {  	s21 =	simm.s32 $0x100;
	[tilespmem:$0x2610] =	vst v52  }
0x16b: {  	s22 =	simm.s32 $0x80;
	v53 =	vld.idx.msk [tilespmem:v24+s21+$0x0], $0xffff  }
0x16c: {  	v51 =	vld.idx.msk [tilespmem:v24+s22+$0x0], $0xffff;
	_ =	sdelay $0x4  }
0x16d: {  	v51 =	vadd.s32 v53, v51  }
0x16e: {  	v52 =	vadd.s32 v5, v51  }
0x16f: {  	(v2sf) =	vpush v52, $0x0  }
0x170: {  	(v2sf) =	vpush v52, $0xF;
	_ =	sdelay $0x1  }
0x171: {  	(v2sf) =	vpush v52, $0x1  }
0x172: {  	(v2sf) =	vpush v52, $0x2;
	_ =	sdelay $0x2  }
0x173: {  	(v2sf) =	vpush v52, $0x3  }
0x174: {  	(v2sf) =	vpush v52, $0x4;
	_ =	sdelay $0x3  }
0x175: {  	(v2sf) =	vpush v52, $0x5  }
0x176: {  	(v2sf) =	vpush v52, $0x6  }
0x177: {  	(v2sf) =	vpush v52, $0x7  }
0x178: {  	s23 =	spop (v2sf)  }
0x179: {  	s5 =	sshra.s32 s23, $0x1F;
	s24 =	spop (v2sf)  }
0x17a: {  	[smem:$0x7F0] =	sst s26;
	(v2sf) =	vpush v52, $0x8;
	s0 =	sxor.u32 s5, s23;
	s9 =	sshra.s32 s24, $0x1F  }
0x17b: {  	s25 =	spop (v2sf);
	s23 =	smov.u32 s4;
	s0 =	ssub.s32 s0, s5  }
0x17c: {  	s29 =	sxor.u32 s9, s24;
	s7 =	sshra.s32 s25, $0x1F;
	s31 =	spop (v2sf)  }
0x17d: {  	s24 =	sld [smem:$0x7F5];
	(drf) =	sdiv.u32 s0, s26;
	s0 =	ssub.s32 s29, s9  }
0x17e: {  	s10 =	sxor.u32 s7, s25;
	s12 =	sshra.s32 s31, $0x1F;
	s26 =	sld [smem:$0x7F2]  }
0x17f: {  	s13 =	spop (v2sf);
	(drf) =	sdiv.u32 s0, s4;
	s10 =	ssub.s32 s10, s7  }
0x180: {  	s11 =	sxor.u32 s12, s31;
	s14 =	sshra.s32 s13, $0x1F;
	s15 =	spop (v2sf)  }
0x181: {  	s4 =	rddreg [dreg:$0x1a];
	s0 =	ssub.s32 s11, s12;
	(drf) =	sdiv.u32 s10, s26  }
0x182: {  	s16 =	sxor.u32 s14, s13;
	s17 =	sshra.s32 s15, $0x1F;
	(drf) =	sdiv.u32 s0, s4  }
0x183: {  	s12 =	sxor.u32 s19, s12;
	s21 =	sxor.u32 s17, s15;
	s0 =	ssub.s32 s16, s14  }
0x184: {  	s19 =	spop (v2sf);
	s22 =	ssub.s32 s21, s17;
	(drf) =	sdiv.u32 s0, s6  }
0x185: {  	(v2sf) =	vpush v52, $0x9;
	(drf) =	sdiv.u32 s22, s28;
	s28 =	sxor.u32 s20, s9;
	s20 =	spop (v2sf)  }
0x186: {  	[dreg:$0x1f] =	wrdreg s30;
	s21 =	spop (v2sf)  }
0x187: {  	(v2sf) =	vpush v52, $0xA;
	s7 =	sxor.u32 s18, s7;
	s0 =	sxor.u32 s24, s5;
	s25 =	spop (drf)  }
0x188: {  	s15 =	rddreg [dreg:$0x16];
	s5 =	sxor.u32 s0, s25;
	s29 =	spop (drf)  }
0x189: {  	(v2sf) =	vpush v52, $0xB;
	s10 =	ssub.s32 s5, s0;
	s5 =	sxor.u32 s28, s29;
	s29 =	spop (v2sf)  }
0x18a: {  	s16 =	sxor.u32 s15, s17;
	s15 =	sshra.s32 s20, $0x1F;
	s31 =	spop (drf)  }
0x18b: {  	(v2sf) =	vpush v52, $0xC;
	s0 =	ssub.s32 s5, s28;
	s9 =	sxor.u32 s7, s31;
	s6 =	spop (drf)  }
0x18c: {  	(v2sf) =	vpush v52, $0xD;
	s28 =	sld [smem:$0x7EC];
	s5 =	ssub.s32 s9, s7;
	s9 =	sxor.u32 s12, s6  }
0x18d: {  	s13 =	spop (drf);
	s7 =	ssub.s32 s9, s12;
	s12 =	sxor.u32 s8, s14  }
0x18e: {  	s17 =	spop (drf);
	s14 =	sxor.u32 s15, s20;
	s8 =	rddreg [dreg:$0x17]  }
0x18f: {  	s11 =	sxor.u32 s12, s13;
	s18 =	sxor.u32 s16, s17;
	s17 =	sshra.s32 s21, $0x1F  }
0x190: {  	(v2sf) =	vpush v52, $0xE;
	s22 =	ssub.s32 s14, s15;
	s9 =	ssub.s32 s11, s12;
	s12 =	sshra.s32 s19, $0x1F  }
0x191: {  	s11 =	ssub.s32 s18, s16;
	s24 =	sxor.u32 s17, s21;
	s13 =	sxor.u32 s12, s19  }
0x192: {  	s18 =	rddreg [dreg:$0x18];
	s25 =	ssub.s32 s24, s17;
	s13 =	ssub.s32 s13, s12  }
0x193: {  	s12 =	sxor.u32 s3, s12;
	s3 =	sld [smem:$0x7EE];
	(drf) =	sdiv.u32 s13, s8  }
0x194: {  	s13 =	sshra.s32 s29, $0x1F;
	(drf) =	sdiv.u32 s22, s30;
	s30 =	spop (v2sf)  }
0x195: {  	s14 =	sxor.u32 s13, s29;
	s22 =	rddreg [dreg:$0x19];
	(drf) =	sdiv.u32 s25, s28  }
0x196: {  	s21 =	sshra.s32 s30, $0x1F;
	s31 =	spop (v2sf);
	s14 =	ssub.s32 s14, s13  }
0x197: {  	s16 =	sxor.u32 s21, s30;
	(drf) =	sdiv.u32 s14, s18;
	s30 =	rddreg [dreg:$0x1b]  }
0x198: {  	s24 =	sshra.s32 s31, $0x1F;
	s29 =	spop (v2sf);
	s18 =	sld [smem:$0x7ED]  }
0x199: {  	s19 =	ssub.s32 s16, s21;
	s20 =	sxor.u32 s24, s31;
	s14 =	sshra.s32 s29, $0x1F  }
0x19a: {  	s31 =	spop (v2sf);
	(drf) =	sdiv.u32 s19, s22;
	s25 =	ssub.s32 s20, s24  }
0x19b: {  	s16 =	sxor.u32 s14, s29;
	s20 =	spop (v2sf);
	(drf) =	sdiv.u32 s25, s30  }
0x19c: {  	s25 =	sshra.s32 s31, $0x1F;
	s16 =	ssub.s32 s16, s14;
	s6 =	spop (drf)  }
0x19d: {  	s22 =	sxor.u32 s25, s31;
	(drf) =	sdiv.u32 s16, s18;
	s19 =	sxor.u32 s12, s6  }
0x19e: {  	s22 =	ssub.s32 s22, s25;
	s12 =	ssub.s32 s19, s12;
	s19 =	sld [smem:$0x7FC]  }
0x19f: {  	s29 =	spop (v2sf);
	(drf) =	sdiv.u32 s22, s3;
	s22 =	sshra.s32 s20, $0x1F  }
0x1a0: {  	s31 =	sshra.s32 s29, $0x1F;
	s30 =	sxor.u32 s22, s20;
	s6 =	spop (drf)  }
0x1a1: {  	v60 =	vmov s0;
	s0 =	ssub.s32 s30, s22;
	s30 =	sxor.u32 s31, s29;
	s15 =	sxor.u32 s19, s15  }
0x1a2: {  	v54 =	vsel vm9, s10, v60;
	s29 =	ssub.s32 s30, s31;
	s30 =	sld [smem:$0x7F7];
	s20 =	sxor.u32 s15, s6  }
0x1a3: {  	v54 =	vsel vm2, s5, v54;
	s5 =	ssub.s32 s20, s15;
	s20 =	rddreg [dreg:$0x1c]  }
0x1a4: {  	(drf) =	sdiv.u32 s0, s20  }
0x1a5: {  	(drf) =	sdiv.u32 s29, s30;
	s30 =	sld [smem:$0x7EF]  }
0x1a6: {  	v54 =	vsel vm3, s7, v54;
	s7 =	rddreg [dreg:$0x1d];
	s10 =	spop (drf)  }
0x1a7: {  	s16 =	spop (drf);
	s0 =	sxor.u32 s7, s17  }
0x1a8: {  	s20 =	sld [smem:$0x7FD];
	s17 =	sxor.u32 s30, s21;
	s21 =	spop (drf)  }
0x1a9: {  	s6 =	sxor.u32 s17, s21  }
0x1aa: {  	v54 =	vsel vm4, s9, v54;
	s9 =	ssub.s32 s6, s17;
	s6 =	sld [smem:$0x7E8]  }
0x1ab: {  	s7 =	sxor.u32 s0, s10;
	s15 =	sxor.u32 s20, s13  }
0x1ac: {  	v54 =	vsel vm6, s11, v54;
	s0 =	ssub.s32 s7, s0;
	s10 =	sxor.u32 s15, s16;
	s16 =	rddreg [dreg:$0x1e]  }
0x1ad: {  	v54 =	vsel vm15, s12, v54;
	s13 =	spop (drf);
	s12 =	sxor.u32 s6, s24;
	s24 =	sld [smem:$0x7E9]  }
0x1ae: {  	v54 =	vsel vm5, s5, v54;
	s29 =	ssub.s32 s10, s15;
	s10 =	sxor.u32 s16, s14;
	s17 =	spop (drf)  }
0x1af: {  	v54 =	vsel vm11, s0, v54;
	s21 =	sxor.u32 s10, s17  }
0x1b0: {  	v54 =	vsel vm14, s29, v54;
	s15 =	sxor.u32 s12, s13;
	s11 =	sxor.u32 s24, s25;
	s25 =	spop (drf)  }
0x1b1: {  	v54 =	vsel vm10, s9, v54;
	s29 =	ssub.s32 s21, s10;
	s0 =	ssub.s32 s15, s12;
	s9 =	sxor.u32 s11, s25  }
0x1b2: {  	v54 =	vsel vm7, s0, v54;
	s12 =	spop (drf);
	s10 =	ssub.s32 s9, s11;
	s11 =	sxor.u32 s2, s22  }
0x1b3: {  	s14 =	sxor.u32 s1, s31;
	v54 =	vsel vm1, s29, v54;
	s15 =	spop (drf);
	s13 =	sxor.u32 s11, s12  }
0x1b4: {  	v54 =	vsel vm8, s10, v54;
	s17 =	sxor.u32 s14, s15;
	s16 =	ssub.s32 s13, s11  }
0x1b5: {  	s21 =	ssub.s32 s17, s14;
	v54 =	vsel vm12, s16, v54  }
0x1b6: {  	v54 =	vsel vm13, s21, v54  }
0x1b7: {  	v61 =	vshll.u32 v54, $0x3  }
0x1b8: {  	v53 =	vadd.s32 v26, v53;
	v62 =	vand.u32 $0x7F, v54;
	v55 =	vand.u32 $0xFFFFFC00, v61  }
0x1b9: {  	v55 =	vor.u32 v62, v55  }
0x1ba: {  	v55 =	vadd.s32 v25, v55;
	_ =	sdelay $0x1  }
0x1bb: {  	v60 =	vld [tilespmem:$0x1FFC0];
	s24 =	simm.s32 $0x180  }
0x1bc: {  	v53 =	vld.idx.msk [tilespmem:v53+s24+$0x0], $0xffff;
	s25 =	simm.s32 $0x280  }
0x1bd: {  	s22 =	simm.s32 $0x300;
	v63 =	vld.idx.msk [tilespmem:v27+s25+$0x0], $0xffff  }
0x1be: {  	v55 =	vld.idx.msk [tilespmem:v55+s22+$0x0], $0xffff;
	_ =	sdelay $0x3  }
0x1bf: {  	vm0 =	vnez.u8 v60  }
0x1c0: {  	v53 =	vsel vm0, v63, v53;
	v54 =	vsub.s32 v55, v54  }
0x1c1: {  	[tilespmem:$0x2320] =	vst v53;
	v54 =	vmul.u32 v50, v54  }
0x1c2: {  	v51 =	vadd.s32 v6, v51;
	[tilespmem:$0x2420] =	vst v52  }
0x1c3: {  	[tilespmem:$0x2520] =	vst v51;
	v52 =	vadd.s32 v52, v54  }
0x1c4: {  	s29 =	simm.s32 $0x100;
	[tilespmem:$0x2620] =	vst v52  }
0x1c5: {  	s31 =	simm.s32 $0x80;
	v53 =	vld.idx.msk [tilespmem:v31+s29+$0x0], $0xffff  }
0x1c6: {  	v51 =	vld.idx.msk [tilespmem:v31+s31+$0x0], $0xffff;
	_ =	sdelay $0x4  }
0x1c7: {  	v51 =	vadd.s32 v53, v51  }
0x1c8: {  	v52 =	vadd.s32 v7, v51  }
0x1c9: {  	(v2sf) =	vpush v52, $0x0;
	_ =	sdelay $0x1  }
0x1ca: {  	(v2sf) =	vpush v52, $0xF  }
0x1cb: {  	(v2sf) =	vpush v52, $0x1  }
0x1cc: {  	(v2sf) =	vpush v52, $0x2;
	_ =	sdelay $0x1  }
0x1cd: {  	(v2sf) =	vpush v52, $0x3  }
0x1ce: {  	(v2sf) =	vpush v52, $0x4;
	_ =	sdelay $0x1  }
0x1cf: {  	(v2sf) =	vpush v52, $0x5;
	_ =	sdelay $0x5  }
0x1d0: {  	s1 =	spop (v2sf)  }
0x1d1: {  	s9 =	sld [smem:$0x7F0];
	s7 =	sshra.s32 s1, $0x1F  }
0x1d2: {  	s21 =	sld [smem:$0x7F3];
	(v2sf) =	vpush v52, $0x6;
	s2 =	spop (v2sf);
	s0 =	sxor.u32 s7, s1  }
0x1d3: {  	s10 =	sshra.s32 s2, $0x1F;
	s11 =	spop (v2sf);
	s0 =	ssub.s32 s0, s7  }
0x1d4: {  	s5 =	sxor.u32 s10, s2;
	s12 =	sshra.s32 s11, $0x1F;
	s1 =	spop (v2sf)  }
0x1d5: {  	(drf) =	sdiv.u32 s0, s9;
	s5 =	ssub.s32 s5, s10;
	s9 =	sxor.u32 s12, s11  }
0x1d6: {  	s2 =	sshra.s32 s1, $0x1F;
	s14 =	spop (v2sf);
	(drf) =	sdiv.u32 s5, s23  }
0x1d7: {  	s9 =	ssub.s32 s9, s12;
	s11 =	sxor.u32 s2, s1;
	s15 =	spop (v2sf)  }
0x1d8: {  	s23 =	sld [smem:$0x7F4];
	s13 =	ssub.s32 s11, s2;
	s11 =	sshra.s32 s14, $0x1F  }
0x1d9: {  	(drf) =	sdiv.u32 s9, s26;
	s16 =	spop (v2sf);
	s9 =	sxor.u32 s11, s14  }
0x1da: {  	(drf) =	sdiv.u32 s13, s4;
	s13 =	sshra.s32 s15, $0x1F;
	s9 =	ssub.s32 s9, s11  }
0x1db: {  	s5 =	sshra.s32 s16, $0x1F;
	s17 =	sxor.u32 s13, s15;
	(drf) =	sdiv.u32 s9, s21  }
0x1dc: {  	(v2sf) =	vpush v52, $0x7;
	s1 =	sld [smem:$0x7F6];
	s14 =	sxor.u32 s5, s16;
	s22 =	ssub.s32 s17, s13  }
0x1dd: {  	(v2sf) =	vpush v52, $0x8;
	s24 =	ssub.s32 s14, s5;
	(drf) =	sdiv.u32 s22, s23  }
0x1de: {  	(drf) =	sdiv.u32 s24, s8;
	s25 =	spop (drf)  }
0x1df: {  	(v2sf) =	vpush v52, $0x9;
	s4 =	sld [smem:$0x7F5];
	s0 =	sxor.u32 s1, s10;
	s26 =	spop (drf)  }
0x1e0: {  	s23 =	sld [smem:$0x7F9];
	s8 =	sxor.u32 s0, s26  }
0x1e1: {  	(v2sf) =	vpush v52, $0xA;
	s24 =	spop (v2sf);
	s0 =	ssub.s32 s8, s0;
	s8 =	sld [smem:$0x7F8]  }
0x1e2: {  	s7 =	sxor.u32 s4, s7;
	s29 =	spop (drf)  }
0x1e3: {  	(v2sf) =	vpush v52, $0xB;
	s9 =	sxor.u32 s7, s25;
	s31 =	spop (drf)  }
0x1e4: {  	s25 =	sxor.u32 s23, s2;
	s17 =	spop (drf);
	s14 =	sxor.u32 s8, s12  }
0x1e5: {  	(v2sf) =	vpush v52, $0xC;
	s26 =	sxor.u32 s14, s29;
	s29 =	sxor.u32 s25, s31;
	s31 =	sld [smem:$0x7FA]  }
0x1e6: {  	s7 =	ssub.s32 s9, s7;
	v61 =	vmov s0;
	s21 =	spop (drf)  }
0x1e7: {  	s16 =	rddreg [dreg:$0x16];
	v54 =	vsel vm9, s7, v61;
	s22 =	spop (drf);
	s9 =	ssub.s32 s26, s14  }
0x1e8: {  	s10 =	ssub.s32 s29, s25;
	s26 =	rddreg [dreg:$0x1f];
	v54 =	vsel vm2, s9, v54;
	s11 =	sxor.u32 s31, s11  }
0x1e9: {  	v54 =	vsel vm3, s10, v54;
	s10 =	sld [smem:$0x7EB];
	s15 =	sxor.u32 s11, s17;
	s17 =	sxor.u32 s16, s13  }
0x1ea: {  	(v2sf) =	vpush v52, $0xD;
	s13 =	sshra.s32 s24, $0x1F;
	s11 =	ssub.s32 s15, s11;
	s21 =	sxor.u32 s17, s21  }
0x1eb: {  	(v2sf) =	vpush v52, $0xE;
	s23 =	sxor.u32 s13, s24;
	s24 =	spop (v2sf);
	s12 =	ssub.s32 s21, s17  }
0x1ec: {  	s25 =	ssub.s32 s23, s13;
	s15 =	sshra.s32 s24, $0x1F;
	s31 =	spop (v2sf)  }
0x1ed: {  	s23 =	smov.u32 s28;
	s13 =	sxor.u32 s19, s13;
	(drf) =	sdiv.u32 s25, s26  }
0x1ee: {  	s29 =	sxor.u32 s15, s24;
	s17 =	sshra.s32 s31, $0x1F;
	s2 =	spop (v2sf)  }
0x1ef: {  	s26 =	rddreg [dreg:$0x19];
	s14 =	ssub.s32 s29, s15;
	s24 =	sxor.u32 s17, s31  }
0x1f0: {  	s16 =	sshra.s32 s2, $0x1F;
	s25 =	spop (v2sf);
	(drf) =	sdiv.u32 s14, s28  }
0x1f1: {  	s14 =	ssub.s32 s24, s17;
	s21 =	sxor.u32 s16, s2;
	s28 =	rddreg [dreg:$0x18]  }
0x1f2: {  	s2 =	spop (v2sf);
	(drf) =	sdiv.u32 s14, s28;
	s29 =	ssub.s32 s21, s16  }
0x1f3: {  	s21 =	sshra.s32 s25, $0x1F;
	s28 =	rddreg [dreg:$0x1b];
	(drf) =	sdiv.u32 s29, s26  }
0x1f4: {  	v54 =	vsel vm4, s11, v54;
	s31 =	sxor.u32 s21, s25;
	s25 =	sshra.s32 s2, $0x1F;
	s29 =	spop (v2sf)  }
0x1f5: {  	v54 =	vsel vm6, s12, v54;
	s12 =	sxor.u32 s6, s21;
	s14 =	ssub.s32 s31, s21;
	s31 =	sld [smem:$0x7FB]  }
0x1f6: {  	s24 =	sshra.s32 s29, $0x1F;
	(drf) =	sdiv.u32 s14, s28;
	s14 =	sxor.u32 s25, s2  }
0x1f7: {  	s6 =	sld [smem:$0x7E9];
	s29 =	sxor.u32 s24, s29;
	s14 =	ssub.s32 s14, s25  }
0x1f8: {  	s29 =	ssub.s32 s29, s24;
	s5 =	sxor.u32 s31, s5;
	(drf) =	sdiv.u32 s14, s18  }
0x1f9: {  	s31 =	spop (v2sf);
	s22 =	sxor.u32 s5, s22;
	(drf) =	sdiv.u32 s29, s3  }
0x1fa: {  	s2 =	spop (v2sf);
	s5 =	ssub.s32 s22, s5;
	s22 =	sshra.s32 s31, $0x1F  }
0x1fb: {  	s18 =	spop (drf);
	s3 =	sxor.u32 s22, s31;
	s31 =	sshra.s32 s2, $0x1F  }
0x1fc: {  	s14 =	rddreg [dreg:$0x1d];
	s19 =	sxor.u32 s13, s18;
	s2 =	sxor.u32 s31, s2  }
0x1fd: {  	s7 =	ssub.s32 s19, s13;
	s13 =	ssub.s32 s2, s31;
	s2 =	sld [smem:$0x7F7]  }
0x1fe: {  	s17 =	sxor.u32 s20, s17;
	s0 =	ssub.s32 s3, s22;
	s3 =	rddreg [dreg:$0x1c]  }
0x1ff: {  	(drf) =	sdiv.u32 s0, s3;
	s0 =	sxor.u32 s14, s15;
	s15 =	spop (drf)  }
0x200: {  	s19 =	sxor.u32 s30, s16;
	s18 =	spop (drf);
	(drf) =	sdiv.u32 s13, s2  }
0x201: {  	s9 =	sxor.u32 s0, s15;
	s15 =	rddreg [dreg:$0x1e];
	s20 =	spop (drf)  }
0x202: {  	s11 =	sxor.u32 s17, s18;
	s0 =	ssub.s32 s9, s0;
	s13 =	spop (drf)  }
0x203: {  	v54 =	vsel vm15, s5, v54;
	s29 =	ssub.s32 s11, s17;
	s30 =	sxor.u32 s19, s20;
	s17 =	spop (drf)  }
0x204: {  	v54 =	vsel vm5, s7, v54;
	s9 =	ssub.s32 s30, s19;
	s19 =	sxor.u32 s6, s24;
	s20 =	spop (drf)  }
0x205: {  	v54 =	vsel vm11, s0, v54;
	s21 =	sxor.u32 s19, s20;
	s20 =	sld [smem:$0x7EA]  }
0x206: {  	s16 =	sxor.u32 s15, s25;
	s14 =	sxor.u32 s12, s13;
	v54 =	vsel vm14, s29, v54  }
0x207: {  	s18 =	sxor.u32 s16, s17;
	v54 =	vsel vm10, s9, v54;
	s0 =	ssub.s32 s14, s12;
	s9 =	sxor.u32 s10, s31  }
0x208: {  	s5 =	ssub.s32 s18, s16;
	v54 =	vsel vm7, s0, v54;
	s25 =	sxor.u32 s20, s22;
	s29 =	spop (drf)  }
0x209: {  	s24 =	ssub.s32 s21, s19;
	v54 =	vsel vm1, s5, v54;
	s30 =	sxor.u32 s25, s29;
	s11 =	spop (drf)  }
0x20a: {  	v54 =	vsel vm8, s24, v54;
	s12 =	ssub.s32 s30, s25;
	s13 =	sxor.u32 s9, s11  }
0x20b: {  	v54 =	vsel vm12, s12, v54;
	s14 =	ssub.s32 s13, s9  }
0x20c: {  	v54 =	vsel vm13, s14, v54  }
0x20d: {  	v62 =	vshll.u32 v54, $0x3  }
0x20e: {  	v63 =	vand.u32 $0x7F, v54;
	v55 =	vand.u32 $0xFFFFFC00, v62  }
0x20f: {  	v53 =	vadd.s32 v32, v53;
	v55 =	vor.u32 v63, v55  }
0x210: {  	v55 =	vadd.s32 v36, v55;
	_ =	sdelay $0x1  }
0x211: {  	v61 =	vld [tilespmem:$0x1FFE0];
	s17 =	simm.s32 $0x280  }
0x212: {  	s16 =	simm.s32 $0x180;
	v60 =	vld.idx.msk [tilespmem:v34+s17+$0x0], $0xffff  }
0x213: {  	s15 =	simm.s32 $0x300;
	v53 =	vld.idx.msk [tilespmem:v53+s16+$0x0], $0xffff  }
0x214: {  	v55 =	vld.idx.msk [tilespmem:v55+s15+$0x0], $0xffff;
	_ =	sdelay $0x3  }
0x215: {  	vm0 =	vnez.u8 v61  }
0x216: {  	v53 =	vsel vm0, v60, v53;
	v54 =	vsub.s32 v55, v54  }
0x217: {  	[tilespmem:$0x2330] =	vst v53;
	v54 =	vmul.u32 v50, v54  }
0x218: {  	v51 =	vadd.s32 v8, v51;
	[tilespmem:$0x2430] =	vst v52  }
0x219: {  	[tilespmem:$0x2530] =	vst v51;
	v52 =	vadd.s32 v52, v54  }
0x21a: {  	s18 =	simm.s32 $0x100;
	[tilespmem:$0x2630] =	vst v52  }
0x21b: {  	s19 =	simm.s32 $0x80;
	v53 =	vld.idx.msk [tilespmem:v40+s18+$0x0], $0xffff  }
0x21c: {  	v51 =	vld.idx.msk [tilespmem:v40+s19+$0x0], $0xffff;
	_ =	sdelay $0x4  }
0x21d: {  	v51 =	vadd.s32 v53, v51  }
0x21e: {  	v52 =	vadd.s32 v9, v51  }
0x21f: {  	(v2sf) =	vpush v52, $0x0  }
0x220: {  	(v2sf) =	vpush v52, $0xF;
	_ =	sdelay $0x1  }
0x221: {  	(v2sf) =	vpush v52, $0x1  }
0x222: {  	(v2sf) =	vpush v52, $0x2;
	_ =	sdelay $0x1  }
0x223: {  	(v2sf) =	vpush v52, $0x3;
	_ =	sdelay $0x1  }
0x224: {  	(v2sf) =	vpush v52, $0x4;
	_ =	sdelay $0x4  }
0x225: {  	(v2sf) =	vpush v52, $0x5  }
0x226: {  	s31 =	sld [smem:$0x7F1]  }
0x227: {  	s25 =	sld [smem:$0x7F0];
	s21 =	spop (v2sf)  }
0x228: {  	s13 =	sld [smem:$0x7F2];
	s5 =	sshra.s32 s21, $0x1F;
	s22 =	spop (v2sf)  }
0x229: {  	s18 =	rddreg [dreg:$0x1a];
	(v2sf) =	vpush v52, $0x6;
	s0 =	sxor.u32 s5, s21;
	s9 =	sshra.s32 s22, $0x1F  }
0x22a: {  	s24 =	spop (v2sf);
	s0 =	ssub.s32 s0, s5;
	s29 =	sxor.u32 s9, s22  }
0x22b: {  	(v2sf) =	vpush v52, $0x7;
	s7 =	sshra.s32 s24, $0x1F;
	s30 =	spop (v2sf);
	(drf) =	sdiv.u32 s0, s25  }
0x22c: {  	s0 =	ssub.s32 s29, s9;
	s10 =	sxor.u32 s7, s24;
	s12 =	sshra.s32 s30, $0x1F  }
0x22d: {  	s15 =	spop (v2sf);
	(drf) =	sdiv.u32 s0, s31;
	s10 =	ssub.s32 s10, s7  }
0x22e: {  	s14 =	sxor.u32 s12, s30;
	s16 =	sshra.s32 s15, $0x1F;
	(drf) =	sdiv.u32 s10, s13  }
0x22f: {  	s17 =	spop (v2sf);
	s0 =	ssub.s32 s14, s12;
	s19 =	sxor.u32 s16, s15  }
0x230: {  	(drf) =	sdiv.u32 s0, s18;
	s0 =	ssub.s32 s19, s16;
	s19 =	sld [smem:$0x7F3]  }
0x231: {  	s25 =	sld [smem:$0x7F4];
	s21 =	sshra.s32 s17, $0x1F  }
0x232: {  	s22 =	sxor.u32 s21, s17  }
0x233: {  	(v2sf) =	vpush v52, $0x8;
	s18 =	sld [smem:$0x7F9];
	s24 =	ssub.s32 s22, s21;
	(drf) =	sdiv.u32 s0, s19  }
0x234: {  	(v2sf) =	vpush v52, $0x9;
	(drf) =	sdiv.u32 s24, s25;
	s25 =	spop (v2sf)  }
0x235: {  	s29 =	sxor.u32 s4, s5;
	s31 =	sxor.u32 s1, s9;
	s30 =	spop (drf)  }
0x236: {  	(v2sf) =	vpush v52, $0xA;
	s7 =	sxor.u32 s8, s7;
	s5 =	sxor.u32 s29, s30;
	s1 =	spop (drf)  }
0x237: {  	(v2sf) =	vpush v52, $0xB;
	s12 =	sxor.u32 s18, s12;
	s10 =	ssub.s32 s5, s29;
	s4 =	spop (drf)  }
0x238: {  	s5 =	sxor.u32 s31, s1;
	s29 =	spop (v2sf);
	s9 =	sxor.u32 s7, s4  }
0x239: {  	(v2sf) =	vpush v52, $0xC;
	s8 =	spop (drf);
	s0 =	ssub.s32 s5, s31;
	s4 =	sld [smem:$0x7FA]  }
0x23a: {  	(v2sf) =	vpush v52, $0xD;
	s30 =	spop (v2sf);
	s31 =	rddreg [dreg:$0x17];
	s15 =	sxor.u32 s12, s8  }
0x23b: {  	s5 =	ssub.s32 s9, s7;
	s8 =	rddreg [dreg:$0x16];
	s7 =	ssub.s32 s15, s12  }
0x23c: {  	s21 =	sxor.u32 s8, s21;
	s12 =	sshra.s32 s25, $0x1F;
	s15 =	sshra.s32 s29, $0x1F  }
0x23d: {  	s16 =	sxor.u32 s4, s16;
	s17 =	spop (drf);
	s13 =	sxor.u32 s12, s25  }
0x23e: {  	s14 =	sxor.u32 s15, s29;
	s11 =	sxor.u32 s16, s17;
	s22 =	spop (drf)  }
0x23f: {  	(v2sf) =	vpush v52, $0xE;
	s13 =	ssub.s32 s13, s12;
	s17 =	sshra.s32 s30, $0x1F;
	s14 =	ssub.s32 s14, s15  }
0x240: {  	s9 =	ssub.s32 s11, s16;
	s24 =	sxor.u32 s21, s22;
	(drf) =	sdiv.u32 s13, s31  }
0x241: {  	s16 =	sxor.u32 s17, s30;
	s30 =	rddreg [dreg:$0x18];
	s11 =	ssub.s32 s24, s21  }
0x242: {  	s21 =	rddreg [dreg:$0x1f];
	s22 =	ssub.s32 s16, s17;
	s24 =	spop (v2sf)  }
0x243: {  	(drf) =	sdiv.u32 s14, s21;
	s13 =	sshra.s32 s24, $0x1F;
	s25 =	spop (v2sf)  }
0x244: {  	(drf) =	sdiv.u32 s22, s23;
	s14 =	sxor.u32 s13, s24;
	s21 =	sshra.s32 s25, $0x1F  }
0x245: {  	s29 =	spop (v2sf);
	s14 =	ssub.s32 s14, s13;
	s16 =	sxor.u32 s21, s25  }
0x246: {  	s24 =	sshra.s32 s29, $0x1F;
	s22 =	spop (v2sf);
	s25 =	sld [smem:$0x7FB]  }
0x247: {  	(drf) =	sdiv.u32 s14, s30;
	s31 =	ssub.s32 s16, s21;
	s1 =	sxor.u32 s24, s29  }
0x248: {  	s14 =	sshra.s32 s22, $0x1F;
	s23 =	spop (v2sf);
	s30 =	sld [smem:$0x7EE]  }
0x249: {  	(drf) =	sdiv.u32 s31, s26;
	s16 =	ssub.s32 s1, s24;
	s31 =	spop (v2sf)  }
0x24a: {  	(drf) =	sdiv.u32 s16, s28;
	s16 =	sxor.u32 s14, s22;
	s28 =	sld [smem:$0x7ED]  }
0x24b: {  	s12 =	sxor.u32 s25, s12;
	s25 =	sshra.s32 s23, $0x1F;
	s16 =	ssub.s32 s16, s14  }
0x24c: {  	s22 =	sxor.u32 s25, s23;
	s23 =	sld [smem:$0x7FC];
	s26 =	spop (drf)  }
0x24d: {  	s22 =	ssub.s32 s22, s25;
	(drf) =	sdiv.u32 s16, s28;
	s29 =	sxor.u32 s12, s26  }
0x24e: {  	s26 =	spop (v2sf);
	s12 =	ssub.s32 s29, s12;
	(drf) =	sdiv.u32 s22, s30  }
0x24f: {  	s15 =	sxor.u32 s23, s15;
	s22 =	sshra.s32 s31, $0x1F;
	s1 =	spop (drf)  }
0x250: {  	s30 =	sxor.u32 s22, s31;
	s31 =	sshra.s32 s26, $0x1F;
	s23 =	sxor.u32 s15, s1  }
0x251: {  	v62 =	vmov s0;
	s0 =	ssub.s32 s30, s22;
	s26 =	sxor.u32 s31, s26;
	s29 =	ssub.s32 s23, s15  }
0x252: {  	s23 =	sld [smem:$0x7EF];
	(drf) =	sdiv.u32 s0, s3;
	s30 =	ssub.s32 s26, s31  }
0x253: {  	v54 =	vsel vm9, s10, v62;
	s26 =	rddreg [dreg:$0x1d];
	(drf) =	sdiv.u32 s30, s2  }
0x254: {  	v54 =	vsel vm2, s5, v54;
	s1 =	sxor.u32 s26, s17;
	s2 =	spop (drf);
	s30 =	sld [smem:$0x7FD]  }
0x255: {  	v54 =	vsel vm3, s7, v54;
	s7 =	sxor.u32 s1, s2  }
0x256: {  	v54 =	vsel vm4, s9, v54;
	s15 =	sxor.u32 s23, s21;
	s2 =	sld [smem:$0x7E8];
	s0 =	ssub.s32 s7, s1  }
0x257: {  	v54 =	vsel vm6, s11, v54;
	s1 =	rddreg [dreg:$0x1e];
	s3 =	sxor.u32 s30, s13;
	s13 =	spop (drf)  }
0x258: {  	v54 =	vsel vm15, s12, v54;
	s14 =	sxor.u32 s1, s14;
	s10 =	sxor.u32 s3, s13;
	s16 =	spop (drf)  }
0x259: {  	v54 =	vsel vm5, s29, v54;
	s17 =	ssub.s32 s10, s3;
	s21 =	sxor.u32 s15, s16;
	s12 =	spop (drf)  }
0x25a: {  	v54 =	vsel vm11, s0, v54;
	s3 =	sxor.u32 s2, s24;
	s29 =	ssub.s32 s21, s15;
	s15 =	spop (drf)  }
0x25b: {  	s13 =	sxor.u32 s3, s12;
	v54 =	vsel vm14, s17, v54;
	s17 =	sxor.u32 s6, s25;
	s21 =	spop (drf)  }
0x25c: {  	s0 =	ssub.s32 s13, s3;
	s3 =	sxor.u32 s20, s22;
	s20 =	sld [smem:$0x7EB]  }
0x25d: {  	s16 =	sxor.u32 s14, s15;
	v54 =	vsel vm10, s29, v54;
	s25 =	sxor.u32 s17, s21  }
0x25e: {  	s24 =	ssub.s32 s16, s14;
	v54 =	vsel vm7, s0, v54;
	s6 =	spop (drf);
	s29 =	ssub.s32 s25, s17  }
0x25f: {  	v54 =	vsel vm1, s24, v54;
	s10 =	sxor.u32 s3, s6;
	s12 =	spop (drf);
	s11 =	sxor.u32 s20, s31  }
0x260: {  	v54 =	vsel vm8, s29, v54;
	s13 =	ssub.s32 s10, s3;
	s14 =	sxor.u32 s11, s12  }
0x261: {  	v54 =	vsel vm12, s13, v54;
	s15 =	ssub.s32 s14, s11  }
0x262: {  	v54 =	vsel vm13, s15, v54  }
0x263: {  	v63 =	vshll.u32 v54, $0x3  }
0x264: {  	v60 =	vand.u32 $0x7F, v54;
	v55 =	vand.u32 $0xFFFFFC00, v63  }
0x265: {  	v53 =	vadd.s32 v41, v53;
	v55 =	vor.u32 v60, v55  }
0x266: {  	v55 =	vadd.s32 v45, v55;
	_ =	sdelay $0x1  }
0x267: {  	v62 =	vld [tilespmem:$0x1FFD0];
	s21 =	simm.s32 $0x280  }
0x268: {  	s17 =	simm.s32 $0x180;
	v61 =	vld.idx.msk [tilespmem:v35+s21+$0x0], $0xffff  }
0x269: {  	s16 =	simm.s32 $0x300;
	v53 =	vld.idx.msk [tilespmem:v53+s17+$0x0], $0xffff  }
0x26a: {  	v55 =	vld.idx.msk [tilespmem:v55+s16+$0x0], $0xffff;
	_ =	sdelay $0x3  }
0x26b: {  	vm0 =	vnez.u8 v62  }
0x26c: {  	v53 =	vsel vm0, v61, v53;
	v54 =	vsub.s32 v55, v54  }
0x26d: {  	[tilespmem:$0x2340] =	vst v53;
	v54 =	vmul.u32 v50, v54  }
0x26e: {  	v51 =	vadd.s32 v10, v51;
	[tilespmem:$0x2440] =	vst v52  }
0x26f: {  	[tilespmem:$0x2540] =	vst v51;
	v52 =	vadd.s32 v52, v54  }
0x270: {  	s22 =	simm.s32 $0x100;
	[tilespmem:$0x2640] =	vst v52  }
0x271: {  	s24 =	simm.s32 $0x80;
	v63 =	vld.idx.msk [tilespmem:v13+s22+$0x0], $0xffff  }
0x272: {  	v51 =	vld.idx.msk [tilespmem:v13+s24+$0x0], $0xffff;
	_ =	sdelay $0x4  }
0x273: {  	v51 =	vadd.s32 v63, v51  }
0x274: {  	v52 =	vadd.s32 v1, v51  }
0x275: {  	(v2sf) =	vpush v52, $0x0  }
0x276: {  	(v2sf) =	vpush v52, $0xF  }
0x277: {  	(v2sf) =	vpush v52, $0x1;
	_ =	sdelay $0x1  }
0x278: {  	(v2sf) =	vpush v52, $0x2;
	_ =	sdelay $0x2  }
0x279: {  	(v2sf) =	vpush v52, $0x3  }
0x27a: {  	(v2sf) =	vpush v52, $0x4;
	_ =	sdelay $0x3  }
0x27b: {  	(v2sf) =	vpush v52, $0x5;
	_ =	sdelay $0x1  }
0x27c: {  	s6 =	sld [smem:$0x7F0];
	(v2sf) =	vpush v52, $0x6  }
0x27d: {  	s13 =	sld [smem:$0x7F1];
	(v2sf) =	vpush v52, $0x7;
	s25 =	spop (v2sf)  }
0x27e: {  	s3 =	rddreg [dreg:$0x1a];
	s5 =	sshra.s32 s25, $0x1F;
	s29 =	spop (v2sf)  }
0x27f: {  	s0 =	sxor.u32 s5, s25;
	s9 =	sshra.s32 s29, $0x1F;
	s31 =	spop (v2sf)  }
0x280: {  	s0 =	ssub.s32 s0, s5;
	s11 =	sxor.u32 s9, s29;
	s7 =	sshra.s32 s31, $0x1F  }
0x281: {  	s12 =	spop (v2sf);
	(drf) =	sdiv.u32 s0, s6;
	s10 =	sxor.u32 s7, s31  }
0x282: {  	s15 =	sshra.s32 s12, $0x1F;
	s14 =	ssub.s32 s10, s7;
	s10 =	sld [smem:$0x7F2]  }
0x283: {  	s25 =	sld [smem:$0x7F4];
	s0 =	ssub.s32 s11, s9;
	s11 =	sxor.u32 s15, s12  }
0x284: {  	(drf) =	sdiv.u32 s0, s13;
	s13 =	spop (v2sf);
	s0 =	ssub.s32 s11, s15  }
0x285: {  	s16 =	spop (v2sf);
	(drf) =	sdiv.u32 s14, s10;
	s14 =	sshra.s32 s13, $0x1F  }
0x286: {  	s21 =	sshra.s32 s16, $0x1F;
	(drf) =	sdiv.u32 s0, s3;
	s17 =	sxor.u32 s14, s13  }
0x287: {  	s29 =	sld [smem:$0x7F5];
	s22 =	sxor.u32 s21, s16;
	s0 =	ssub.s32 s17, s14  }
0x288: {  	(v2sf) =	vpush v52, $0x8;
	s6 =	sld [smem:$0x7F6];
	s24 =	ssub.s32 s22, s21;
	(drf) =	sdiv.u32 s0, s19  }
0x289: {  	(v2sf) =	vpush v52, $0x9;
	(drf) =	sdiv.u32 s24, s25;
	s25 =	spop (v2sf)  }
0x28a: {  	s12 =	sxor.u32 s18, s15;
	s21 =	sxor.u32 s8, s21;
	s31 =	spop (drf)  }
0x28b: {  	(v2sf) =	vpush v52, $0xA;
	s0 =	sxor.u32 s29, s5;
	s19 =	sld [smem:$0x7F8];
	s29 =	spop (v2sf)  }
0x28c: {  	(v2sf) =	vpush v52, $0xB;
	s17 =	sxor.u32 s4, s14;
	s5 =	sxor.u32 s0, s31;
	s31 =	spop (v2sf)  }
0x28d: {  	s10 =	ssub.s32 s5, s0;
	s0 =	sxor.u32 s6, s9;
	s9 =	spop (drf)  }
0x28e: {  	s7 =	sxor.u32 s19, s7;
	s6 =	rddreg [dreg:$0x17];
	s13 =	spop (drf)  }
0x28f: {  	(v2sf) =	vpush v52, $0xC;
	s5 =	sxor.u32 s0, s9;
	s9 =	sxor.u32 s7, s13;
	s15 =	spop (drf)  }
0x290: {  	s0 =	ssub.s32 s5, s0;
	s5 =	ssub.s32 s9, s7;
	s16 =	sxor.u32 s12, s15  }
0x291: {  	s15 =	sshra.s32 s29, $0x1F;
	s7 =	ssub.s32 s16, s12;
	s18 =	spop (drf)  }
0x292: {  	s12 =	sshra.s32 s25, $0x1F;
	s14 =	sxor.u32 s15, s29;
	s11 =	sxor.u32 s17, s18  }
0x293: {  	s22 =	spop (drf);
	s13 =	sxor.u32 s12, s25;
	s18 =	ssub.s32 s14, s15  }
0x294: {  	(v2sf) =	vpush v52, $0xD;
	s25 =	sld [smem:$0x7EC];
	s9 =	ssub.s32 s11, s17;
	s24 =	sxor.u32 s21, s22  }
0x295: {  	(v2sf) =	vpush v52, $0xE;
	s13 =	ssub.s32 s13, s12;
	s17 =	sshra.s32 s31, $0x1F;
	s11 =	ssub.s32 s24, s21  }
0x296: {  	(drf) =	sdiv.u32 s13, s6;
	s21 =	sxor.u32 s17, s31;
	s6 =	rddreg [dreg:$0x1f]  }
0x297: {  	s24 =	spop (v2sf);
	(drf) =	sdiv.u32 s18, s6;
	s22 =	ssub.s32 s21, s17  }
0x298: {  	s13 =	sshra.s32 s24, $0x1F;
	s29 =	spop (v2sf);
	s18 =	rddreg [dreg:$0x18]  }
0x299: {  	(drf) =	sdiv.u32 s22, s25;
	s14 =	sxor.u32 s13, s24;
	s21 =	sshra.s32 s29, $0x1F  }
0x29a: {  	s31 =	spop (v2sf);
	s14 =	ssub.s32 s14, s13;
	s16 =	sxor.u32 s21, s29  }
0x29b: {  	s24 =	sshra.s32 s31, $0x1F;
	s22 =	spop (v2sf);
	(drf) =	sdiv.u32 s14, s18  }
0x29c: {  	s25 =	ssub.s32 s16, s21;
	s29 =	sxor.u32 s24, s31;
	s31 =	rddreg [dreg:$0x19]  }
0x29d: {  	s14 =	sshra.s32 s22, $0x1F;
	(drf) =	sdiv.u32 s25, s31  }
0x29e: {  	s18 =	ssub.s32 s29, s24;
	s25 =	rddreg [dreg:$0x1b];
	s29 =	spop (v2sf)  }
0x29f: {  	s16 =	sxor.u32 s14, s22;
	(drf) =	sdiv.u32 s18, s25;
	s18 =	sld [smem:$0x7FB]  }
0x2a0: {  	s25 =	sshra.s32 s29, $0x1F;
	s16 =	ssub.s32 s16, s14  }
0x2a1: {  	s22 =	sxor.u32 s25, s29;
	(drf) =	sdiv.u32 s16, s28  }
0x2a2: {  	s16 =	sld [smem:$0x7EE];
	s12 =	sxor.u32 s18, s12;
	s31 =	spop (drf)  }
0x2a3: {  	s28 =	spop (v2sf);
	s4 =	sxor.u32 s12, s31;
	s31 =	sld [smem:$0x7FC]  }
0x2a4: {  	s22 =	ssub.s32 s22, s25;
	s29 =	spop (v2sf)  }
0x2a5: {  	(drf) =	sdiv.u32 s22, s16;
	s22 =	sshra.s32 s28, $0x1F;
	s12 =	ssub.s32 s4, s12  }
0x2a6: {  	v60 =	vmov s0;
	s4 =	spop (drf);
	s15 =	sxor.u32 s31, s15;
	s31 =	sshra.s32 s29, $0x1F  }
0x2a7: {  	v54 =	vsel vm9, s10, v60;
	s0 =	sxor.u32 s22, s28;
	s28 =	sxor.u32 s15, s4;
	s29 =	sxor.u32 s31, s29  }
0x2a8: {  	v54 =	vsel vm2, s5, v54;
	s5 =	ssub.s32 s28, s15;
	s28 =	ssub.s32 s29, s31;
	s29 =	sld [smem:$0x7F7]  }
0x2a9: {  	s0 =	ssub.s32 s0, s22;
	s10 =	spop (drf);
	s15 =	rddreg [dreg:$0x1c]  }
0x2aa: {  	s16 =	spop (drf);
	s4 =	sxor.u32 s26, s17;
	(drf) =	sdiv.u32 s0, s15  }
0x2ab: {  	v54 =	vsel vm3, s7, v54;
	s17 =	sxor.u32 s23, s21;
	s21 =	spop (drf);
	(drf) =	sdiv.u32 s28, s29  }
0x2ac: {  	v54 =	vsel vm4, s9, v54;
	s7 =	sxor.u32 s4, s10;
	s26 =	sxor.u32 s17, s21  }
0x2ad: {  	v54 =	vsel vm6, s11, v54;
	s15 =	sxor.u32 s30, s13;
	s0 =	ssub.s32 s7, s4;
	s30 =	spop (drf)  }
0x2ae: {  	v54 =	vsel vm15, s12, v54;
	s4 =	sxor.u32 s1, s14;
	s14 =	sld [smem:$0x7E9];
	s10 =	sxor.u32 s15, s16  }
0x2af: {  	v54 =	vsel vm5, s5, v54;
	s12 =	spop (drf);
	s23 =	ssub.s32 s10, s15;
	s28 =	ssub.s32 s26, s17  }
0x2b0: {  	v54 =	vsel vm11, s0, v54;
	s29 =	sxor.u32 s2, s24;
	s13 =	sxor.u32 s4, s12;
	s24 =	sld [smem:$0x7EA]  }
0x2b1: {  	s2 =	sxor.u32 s29, s30;
	v54 =	vsel vm14, s23, v54;
	s15 =	sxor.u32 s14, s25;
	s16 =	spop (drf)  }
0x2b2: {  	s17 =	ssub.s32 s13, s4;
	v54 =	vsel vm10, s28, v54;
	s0 =	ssub.s32 s2, s29;
	s21 =	sxor.u32 s15, s16  }
0x2b3: {  	s29 =	sxor.u32 s20, s31;
	v54 =	vsel vm7, s0, v54;
	s25 =	sxor.u32 s24, s22;
	s26 =	spop (drf)  }
0x2b4: {  	s23 =	ssub.s32 s21, s15;
	v54 =	vsel vm1, s17, v54;
	s28 =	sxor.u32 s25, s26;
	s30 =	spop (drf)  }
0x2b5: {  	v54 =	vsel vm8, s23, v54;
	s31 =	ssub.s32 s28, s25;
	s1 =	sxor.u32 s29, s30  }
0x2b6: {  	v54 =	vsel vm12, s31, v54;
	s2 =	ssub.s32 s1, s29  }
0x2b7: {  	v54 =	vsel vm13, s2, v54  }
0x2b8: {  	v61 =	vshll.u32 v54, $0x3  }
0x2b9: {  	v53 =	vadd.s32 v15, v63;
	v62 =	vand.u32 $0x7F, v54;
	v55 =	vand.u32 $0xFFFFFC00, v61  }
0x2ba: {  	v55 =	vor.u32 v62, v55  }
0x2bb: {  	v55 =	vadd.s32 v14, v55;
	_ =	sdelay $0x1  }
0x2bc: {  	v59 =	vld [tilespmem:$0x1FFF0];
	s5 =	simm.s32 $0x180  }
0x2bd: {  	s7 =	simm.s32 $0x280;
	v53 =	vld.idx.msk [tilespmem:v53+s5+$0x0], $0xffff  }
0x2be: {  	v63 =	vld.idx.msk [tilespmem:v39+s7+$0x0], $0xffff;
	s4 =	simm.s32 $0x300  }
0x2bf: {  	v55 =	vld.idx.msk [tilespmem:v55+s4+$0x0], $0xffff;
	_ =	sdelay $0x3  }
0x2c0: {  	vm0 =	vnez.u8 v59  }
0x2c1: {  	v53 =	vsel vm0, v53, v63;
	v54 =	vsub.s32 v55, v54  }
0x2c2: {  	[tilespmem:$0x2350] =	vst v53;
	v54 =	vmul.u32 v50, v54  }
0x2c3: {  	v51 =	vadd.s32 v2, v51;
	[tilespmem:$0x2450] =	vst v52  }
0x2c4: {  	[tilespmem:$0x2550] =	vst v51;
	v52 =	vadd.s32 v52, v54  }
0x2c5: {  	s9 =	simm.s32 $0x100;
	[tilespmem:$0x2650] =	vst v52  }
0x2c6: {  	s10 =	simm.s32 $0x80;
	v53 =	vld.idx.msk [tilespmem:v19+s9+$0x0], $0xffff  }
0x2c7: {  	v51 =	vld.idx.msk [tilespmem:v19+s10+$0x0], $0xffff;
	_ =	sdelay $0x4  }
0x2c8: {  	v51 =	vadd.s32 v53, v51  }
0x2c9: {  	v52 =	vadd.s32 v3, v51  }
0x2ca: {  	(v2sf) =	vpush v52, $0x0;
	_ =	sdelay $0x1  }
0x2cb: {  	(v2sf) =	vpush v52, $0xF  }
0x2cc: {  	(v2sf) =	vpush v52, $0x1  }
0x2cd: {  	(v2sf) =	vpush v52, $0x2;
	_ =	sdelay $0x2  }
0x2ce: {  	(v2sf) =	vpush v52, $0x3  }
0x2cf: {  	(v2sf) =	vpush v52, $0x4;
	_ =	sdelay $0x2  }
0x2d0: {  	(v2sf) =	vpush v52, $0x5  }
0x2d1: {  	(v2sf) =	vpush v52, $0x6  }
0x2d2: {  	s20 =	sld [smem:$0x7F1];
	(v2sf) =	vpush v52, $0x7  }
0x2d3: {  	s22 =	sld [smem:$0x7F5]  }
0x2d4: {  	s23 =	sld [smem:$0x7F2];
	s11 =	spop (v2sf)  }
0x2d5: {  	s2 =	sld [smem:$0x7F0];
	s12 =	sshra.s32 s11, $0x1F  }
0x2d6: {  	s4 =	sld [smem:$0x7F6];
	(v2sf) =	vpush v52, $0x8;
	s24 =	spop (v2sf);
	s0 =	sxor.u32 s12, s11  }
0x2d7: {  	s25 =	sshra.s32 s24, $0x1F;
	s26 =	spop (v2sf);
	s0 =	ssub.s32 s0, s12  }
0x2d8: {  	s28 =	sxor.u32 s25, s24;
	s29 =	sshra.s32 s26, $0x1F;
	s30 =	spop (v2sf)  }
0x2d9: {  	(v2sf) =	vpush v52, $0x9;
	(drf) =	sdiv.u32 s0, s2;
	s0 =	ssub.s32 s28, s25;
	s10 =	sxor.u32 s29, s26  }
0x2da: {  	(v2sf) =	vpush v52, $0xA;
	s1 =	sshra.s32 s30, $0x1F;
	(drf) =	sdiv.u32 s0, s20;
	s31 =	ssub.s32 s10, s29  }
0x2db: {  	s13 =	spop (v2sf);
	s11 =	sxor.u32 s1, s30;
	(drf) =	sdiv.u32 s31, s23  }
0x2dc: {  	s14 =	spop (v2sf);
	s30 =	sld [smem:$0x7F3];
	s0 =	ssub.s32 s11, s1  }
0x2dd: {  	s11 =	sshra.s32 s13, $0x1F;
	s16 =	sshra.s32 s14, $0x1F;
	(drf) =	sdiv.u32 s0, s3  }
0x2de: {  	s15 =	sxor.u32 s11, s13;
	s17 =	sxor.u32 s16, s14;
	s3 =	sld [smem:$0x7F4]  }
0x2df: {  	s0 =	ssub.s32 s15, s11;
	s21 =	ssub.s32 s17, s16;
	s17 =	spop (v2sf)  }
0x2e0: {  	s7 =	sxor.u32 s19, s29;
	(drf) =	sdiv.u32 s0, s30;
	s19 =	spop (v2sf)  }
0x2e1: {  	(drf) =	sdiv.u32 s21, s3;
	s21 =	spop (v2sf)  }
0x2e2: {  	s24 =	spop (drf)  }
0x2e3: {  	s25 =	sxor.u32 s4, s25;
	s0 =	sxor.u32 s22, s12;
	s26 =	spop (drf)  }
0x2e4: {  	s29 =	sld [smem:$0x7F9];
	s5 =	sxor.u32 s0, s24;
	s28 =	spop (drf)  }
0x2e5: {  	(v2sf) =	vpush v52, $0xB;
	s10 =	ssub.s32 s5, s0;
	s5 =	sxor.u32 s25, s26;
	s26 =	spop (v2sf)  }
0x2e6: {  	s14 =	sxor.u32 s8, s16;
	s9 =	sxor.u32 s7, s28;
	s31 =	spop (drf)  }
0x2e7: {  	(v2sf) =	vpush v52, $0xC;
	s0 =	ssub.s32 s5, s25;
	s5 =	ssub.s32 s9, s7;
	s9 =	sld [smem:$0x7FA]  }
0x2e8: {  	s8 =	rddreg [dreg:$0x17];
	s12 =	sxor.u32 s29, s1;
	s28 =	spop (v2sf)  }
0x2e9: {  	s1 =	sxor.u32 s12, s31;
	s29 =	spop (v2sf);
	s31 =	rddreg [dreg:$0x18]  }
0x2ea: {  	s7 =	ssub.s32 s1, s12;
	s13 =	spop (drf);
	s12 =	sxor.u32 s9, s11  }
0x2eb: {  	(v2sf) =	vpush v52, $0xD;
	s1 =	sld [smem:$0x7ED];
	s15 =	spop (drf);
	s11 =	sxor.u32 s12, s13  }
0x2ec: {  	s16 =	sxor.u32 s14, s15;
	s9 =	ssub.s32 s11, s12;
	s12 =	sshra.s32 s17, $0x1F  }
0x2ed: {  	(v2sf) =	vpush v52, $0xE;
	s15 =	sshra.s32 s19, $0x1F;
	s11 =	ssub.s32 s16, s14;
	s13 =	sxor.u32 s12, s17  }
0x2ee: {  	s14 =	sxor.u32 s15, s19;
	s17 =	sshra.s32 s21, $0x1F;
	s13 =	ssub.s32 s13, s12  }
0x2ef: {  	s22 =	ssub.s32 s14, s15;
	s24 =	sxor.u32 s17, s21;
	(drf) =	sdiv.u32 s13, s8  }
0x2f0: {  	s21 =	sshra.s32 s28, $0x1F;
	s12 =	sxor.u32 s18, s12;
	s25 =	ssub.s32 s24, s17  }
0x2f1: {  	s13 =	sshra.s32 s26, $0x1F;
	(drf) =	sdiv.u32 s22, s6;
	s6 =	sld [smem:$0x7EC]  }
0x2f2: {  	s16 =	sxor.u32 s21, s28;
	s24 =	sshra.s32 s29, $0x1F;
	s14 =	sxor.u32 s13, s26  }
0x2f3: {  	s28 =	rddreg [dreg:$0x19];
	s19 =	ssub.s32 s16, s21;
	s14 =	ssub.s32 s14, s13  }
0x2f4: {  	(drf) =	sdiv.u32 s25, s6;
	s25 =	sxor.u32 s24, s29;
	s29 =	spop (v2sf)  }
0x2f5: {  	(drf) =	sdiv.u32 s14, s31;
	s26 =	ssub.s32 s25, s24;
	s31 =	rddreg [dreg:$0x1b]  }
0x2f6: {  	s14 =	sshra.s32 s29, $0x1F;
	(drf) =	sdiv.u32 s19, s28;
	s19 =	spop (v2sf)  }
0x2f7: {  	s16 =	sxor.u32 s14, s29;
	(drf) =	sdiv.u32 s26, s31;
	s25 =	sshra.s32 s19, $0x1F  }
0x2f8: {  	s22 =	sxor.u32 s25, s19;
	s19 =	sld [smem:$0x7FC];
	s26 =	spop (drf)  }
0x2f9: {  	s16 =	ssub.s32 s16, s14;
	s29 =	sxor.u32 s12, s26;
	s26 =	sld [smem:$0x7EE]  }
0x2fa: {  	s31 =	spop (v2sf);
	(drf) =	sdiv.u32 s16, s1;
	s22 =	ssub.s32 s22, s25  }
0x2fb: {  	s18 =	spop (drf);
	s12 =	ssub.s32 s29, s12;
	s15 =	sxor.u32 s19, s15  }
0x2fc: {  	v60 =	vmov s0;
	s29 =	spop (v2sf);
	(drf) =	sdiv.u32 s22, s26;
	s22 =	sshra.s32 s31, $0x1F  }
0x2fd: {  	v54 =	vsel vm9, s10, v60;
	s16 =	sxor.u32 s15, s18;
	s0 =	sxor.u32 s22, s31;
	s31 =	sshra.s32 s29, $0x1F  }
0x2fe: {  	v54 =	vsel vm2, s5, v54;
	s5 =	ssub.s32 s16, s15;
	s15 =	sld [smem:$0x7F7];
	s18 =	sxor.u32 s31, s29  }
0x2ff: {  	s10 =	ssub.s32 s18, s31;
	s18 =	sld [smem:$0x7FD]  }
0x300: {  	s16 =	rddreg [dreg:$0x1d]  }
0x301: {  	v54 =	vsel vm3, s7, v54;
	s29 =	rddreg [dreg:$0x1c]  }
0x302: {  	v54 =	vsel vm4, s9, v54;
	s0 =	ssub.s32 s0, s22;
	s9 =	sxor.u32 s18, s13;
	s13 =	sld [smem:$0x7EF]  }
0x303: {  	v54 =	vsel vm6, s11, v54;
	(drf) =	sdiv.u32 s0, s29;
	s0 =	sxor.u32 s16, s17;
	s17 =	spop (drf)  }
0x304: {  	v54 =	vsel vm15, s12, v54;
	s12 =	rddreg [dreg:$0x1e];
	(drf) =	sdiv.u32 s10, s15;
	s7 =	sxor.u32 s0, s17  }
0x305: {  	s29 =	spop (drf);
	s11 =	sxor.u32 s13, s21;
	s21 =	sld [smem:$0x7E8]  }
0x306: {  	s15 =	spop (drf);
	s0 =	ssub.s32 s7, s0;
	s10 =	sxor.u32 s9, s29  }
0x307: {  	s16 =	ssub.s32 s10, s9;
	s17 =	sxor.u32 s11, s15;
	s15 =	sld [smem:$0x7E9]  }
0x308: {  	s10 =	sxor.u32 s12, s14;
	s9 =	sxor.u32 s21, s24;
	s24 =	spop (drf)  }
0x309: {  	v54 =	vsel vm5, s5, v54;
	s18 =	ssub.s32 s17, s11;
	s29 =	sxor.u32 s9, s24;
	s13 =	spop (drf)  }
0x30a: {  	v54 =	vsel vm11, s0, v54;
	s11 =	sxor.u32 s15, s25;
	s24 =	sld [smem:$0x7EA];
	s14 =	sxor.u32 s10, s13  }
0x30b: {  	v54 =	vsel vm14, s16, v54;
	s16 =	spop (drf);
	s17 =	ssub.s32 s14, s10;
	s10 =	sld [smem:$0x7EB]  }
0x30c: {  	v54 =	vsel vm10, s18, v54;
	s0 =	ssub.s32 s29, s9;
	s18 =	sxor.u32 s11, s16  }
0x30d: {  	v54 =	vsel vm7, s0, v54;
	s25 =	spop (drf);
	s21 =	ssub.s32 s18, s11;
	s7 =	sxor.u32 s24, s22  }
0x30e: {  	v54 =	vsel vm1, s17, v54;
	s11 =	spop (drf);
	s29 =	sxor.u32 s7, s25;
	s9 =	sxor.u32 s10, s31  }
0x30f: {  	v54 =	vsel vm8, s21, v54;
	s12 =	ssub.s32 s29, s7;
	s13 =	sxor.u32 s9, s11  }
0x310: {  	v54 =	vsel vm12, s12, v54;
	s14 =	ssub.s32 s13, s9  }
0x311: {  	v54 =	vsel vm13, s14, v54  }
0x312: {  	v61 =	vshll.u32 v54, $0x3  }
0x313: {  	v53 =	vadd.s32 v21, v53;
	v62 =	vand.u32 $0x7F, v54;
	v55 =	vand.u32 $0xFFFFFC00, v61  }
0x314: {  	v55 =	vor.u32 v62, v55  }
0x315: {  	v55 =	vadd.s32 v20, v55;
	_ =	sdelay $0x1  }
0x316: {  	v59 =	vld [tilespmem:$0x1FFB0];
	s16 =	simm.s32 $0x180  }
0x317: {  	v53 =	vld.idx.msk [tilespmem:v53+s16+$0x0], $0xffff;
	s17 =	simm.s32 $0x280  }
0x318: {  	s15 =	simm.s32 $0x300;
	v63 =	vld.idx.msk [tilespmem:v43+s17+$0x0], $0xffff  }
0x319: {  	v55 =	vld.idx.msk [tilespmem:v55+s15+$0x0], $0xffff;
	_ =	sdelay $0x3  }
0x31a: {  	vm0 =	vnez.u8 v59  }
0x31b: {  	v53 =	vsel vm0, v63, v53;
	v54 =	vsub.s32 v55, v54  }
0x31c: {  	[tilespmem:$0x2360] =	vst v53;
	v54 =	vmul.u32 v50, v54  }
0x31d: {  	v51 =	vadd.s32 v4, v51;
	[tilespmem:$0x2460] =	vst v52  }
0x31e: {  	[tilespmem:$0x2560] =	vst v51;
	v52 =	vadd.s32 v52, v54  }
0x31f: {  	s18 =	simm.s32 $0x100;
	[tilespmem:$0x2660] =	vst v52  }
0x320: {  	s21 =	simm.s32 $0x80;
	v53 =	vld.idx.msk [tilespmem:v28+s18+$0x0], $0xffff  }
0x321: {  	v51 =	vld.idx.msk [tilespmem:v28+s21+$0x0], $0xffff;
	_ =	sdelay $0x4  }
0x322: {  	v51 =	vadd.s32 v53, v51  }
0x323: {  	v52 =	vadd.s32 v5, v51  }
0x324: {  	(v2sf) =	vpush v52, $0x0;
	_ =	sdelay $0x1  }
0x325: {  	(v2sf) =	vpush v52, $0xF  }
0x326: {  	(v2sf) =	vpush v52, $0x1;
	_ =	sdelay $0x1  }
0x327: {  	(v2sf) =	vpush v52, $0x2;
	_ =	sdelay $0x1  }
0x328: {  	(v2sf) =	vpush v52, $0x3;
	_ =	sdelay $0x1  }
0x329: {  	(v2sf) =	vpush v52, $0x4;
	_ =	sdelay $0x2  }
0x32a: {  	(v2sf) =	vpush v52, $0x5  }
0x32b: {  	(v2sf) =	vpush v52, $0x6;
	_ =	sdelay $0x1  }
0x32c: {  	s22 =	spop (v2sf)  }
0x32d: {  	s24 =	sshra.s32 s22, $0x1F  }
0x32e: {  	(v2sf) =	vpush v52, $0x7;
	s25 =	spop (v2sf);
	s0 =	sxor.u32 s24, s22  }
0x32f: {  	s9 =	sshra.s32 s25, $0x1F;
	s29 =	spop (v2sf);
	s0 =	ssub.s32 s0, s24  }
0x330: {  	s31 =	sxor.u32 s9, s25;
	s7 =	sshra.s32 s29, $0x1F;
	(drf) =	sdiv.u32 s0, s2  }
0x331: {  	s0 =	ssub.s32 s31, s9;
	s10 =	sxor.u32 s7, s29;
	s2 =	spop (v2sf)  }
0x332: {  	(v2sf) =	vpush v52, $0x8;
	(drf) =	sdiv.u32 s0, s20;
	s13 =	ssub.s32 s10, s7;
	s12 =	sshra.s32 s2, $0x1F  }
0x333: {  	s15 =	spop (v2sf);
	(drf) =	sdiv.u32 s13, s23;
	s14 =	sxor.u32 s12, s2  }
0x334: {  	s18 =	rddreg [dreg:$0x1a];
	s16 =	sshra.s32 s15, $0x1F;
	s0 =	ssub.s32 s14, s12  }
0x335: {  	s17 =	spop (v2sf);
	s20 =	sxor.u32 s16, s15;
	(drf) =	sdiv.u32 s0, s18  }
0x336: {  	s21 =	sshra.s32 s17, $0x1F;
	s0 =	ssub.s32 s20, s16  }
0x337: {  	s2 =	sld [smem:$0x7F5];
	s22 =	sxor.u32 s21, s17;
	(drf) =	sdiv.u32 s0, s30  }
0x338: {  	s18 =	sld [smem:$0x7F9];
	s23 =	ssub.s32 s22, s21;
	s22 =	spop (v2sf)  }
0x339: {  	(drf) =	sdiv.u32 s23, s3;
	s23 =	spop (v2sf)  }
0x33a: {  	(v2sf) =	vpush v52, $0x9;
	s30 =	sld [smem:$0x7F8];
	s25 =	spop (drf)  }
0x33b: {  	(v2sf) =	vpush v52, $0xA;
	s29 =	sxor.u32 s4, s9;
	s24 =	sxor.u32 s2, s24;
	s31 =	spop (drf)  }
0x33c: {  	s12 =	sxor.u32 s18, s12;
	s5 =	sxor.u32 s24, s25;
	s3 =	spop (drf)  }
0x33d: {  	s7 =	sxor.u32 s30, s7;
	s10 =	ssub.s32 s5, s24;
	s24 =	spop (v2sf)  }
0x33e: {  	(v2sf) =	vpush v52, $0xB;
	s5 =	sxor.u32 s29, s31;
	s9 =	sxor.u32 s7, s3;
	s4 =	spop (drf)  }
0x33f: {  	s0 =	ssub.s32 s5, s29;
	s5 =	ssub.s32 s9, s7;
	s9 =	sxor.u32 s12, s4  }
0x340: {  	(v2sf) =	vpush v52, $0xC;
	s15 =	spop (drf);
	s7 =	ssub.s32 s9, s12;
	s12 =	sld [smem:$0x7FA]  }
0x341: {  	s4 =	spop (v2sf)  }
0x342: {  	s31 =	rddreg [dreg:$0x1f];
	s20 =	spop (drf)  }
0x343: {  	(v2sf) =	vpush v52, $0xD;
	s13 =	sxor.u32 s12, s16;
	s16 =	rddreg [dreg:$0x16];
	s12 =	sshra.s32 s22, $0x1F  }
0x344: {  	(v2sf) =	vpush v52, $0xE;
	s11 =	sxor.u32 s13, s15;
	s17 =	sxor.u32 s16, s21;
	s15 =	sshra.s32 s23, $0x1F  }
0x345: {  	s9 =	ssub.s32 s11, s13;
	s21 =	sxor.u32 s17, s20;
	s13 =	sxor.u32 s12, s22  }
0x346: {  	s14 =	sxor.u32 s15, s23;
	s11 =	ssub.s32 s21, s17;
	s13 =	ssub.s32 s13, s12  }
0x347: {  	s17 =	sshra.s32 s24, $0x1F;
	s25 =	ssub.s32 s14, s15;
	s15 =	sxor.u32 s19, s15  }
0x348: {  	s19 =	sld [smem:$0x7F7];
	(drf) =	sdiv.u32 s13, s8;
	s29 =	sxor.u32 s17, s24  }
0x349: {  	s13 =	sshra.s32 s4, $0x1F;
	s8 =	spop (v2sf);
	(drf) =	sdiv.u32 s25, s31  }
0x34a: {  	s3 =	ssub.s32 s29, s17;
	s14 =	sxor.u32 s13, s4;
	s20 =	spop (v2sf)  }
0x34b: {  	s21 =	sshra.s32 s8, $0x1F;
	s4 =	rddreg [dreg:$0x1b];
	(drf) =	sdiv.u32 s3, s6  }
0x34c: {  	s14 =	ssub.s32 s14, s13;
	s16 =	sxor.u32 s21, s8;
	s6 =	rddreg [dreg:$0x18]  }
0x34d: {  	s24 =	sshra.s32 s20, $0x1F;
	s29 =	spop (v2sf);
	(drf) =	sdiv.u32 s14, s6  }
0x34e: {  	s23 =	ssub.s32 s16, s21;
	s25 =	sxor.u32 s24, s20;
	s14 =	sshra.s32 s29, $0x1F  }
0x34f: {  	s31 =	spop (v2sf);
	(drf) =	sdiv.u32 s23, s28;
	s28 =	ssub.s32 s25, s24  }
0x350: {  	s16 =	sxor.u32 s14, s29;
	s25 =	sshra.s32 s31, $0x1F;
	(drf) =	sdiv.u32 s28, s4  }
0x351: {  	s28 =	sld [smem:$0x7FB];
	s16 =	ssub.s32 s16, s14;
	s22 =	sxor.u32 s25, s31  }
0x352: {  	s20 =	spop (v2sf);
	(drf) =	sdiv.u32 s16, s1;
	s22 =	ssub.s32 s22, s25  }
0x353: {  	s23 =	spop (v2sf);
	(drf) =	sdiv.u32 s22, s26;
	s22 =	sshra.s32 s20, $0x1F  }
0x354: {  	s12 =	sxor.u32 s28, s12;
	s26 =	sxor.u32 s22, s20;
	s3 =	spop (drf)  }
0x355: {  	v60 =	vmov s0;
	s31 =	sshra.s32 s23, $0x1F;
	s0 =	ssub.s32 s26, s22;
	s8 =	sxor.u32 s12, s3  }
0x356: {  	s26 =	sld [smem:$0x7FD];
	s1 =	spop (drf);
	s12 =	ssub.s32 s8, s12  }
0x357: {  	v54 =	vsel vm9, s10, v60;
	s3 =	sxor.u32 s15, s1;
	s8 =	sxor.u32 s31, s23;
	s23 =	spop (drf)  }
0x358: {  	v54 =	vsel vm2, s5, v54;
	s5 =	ssub.s32 s3, s15;
	s16 =	ssub.s32 s8, s31;
	s8 =	rddreg [dreg:$0x1d]  }
0x359: {  	s15 =	rddreg [dreg:$0x1c];
	s29 =	sxor.u32 s26, s13;
	s20 =	sxor.u32 s8, s17  }
0x35a: {  	v54 =	vsel vm3, s7, v54;
	s3 =	spop (drf);
	s13 =	sld [smem:$0x7EF];
	s7 =	sxor.u32 s20, s23  }
0x35b: {  	v54 =	vsel vm4, s9, v54;
	(drf) =	sdiv.u32 s0, s15;
	s0 =	ssub.s32 s7, s20;
	s20 =	sld [smem:$0x7E8]  }
0x35c: {  	v54 =	vsel vm6, s11, v54;
	s10 =	sxor.u32 s29, s3;
	s3 =	sld [smem:$0x7E9]  }
0x35d: {  	v54 =	vsel vm15, s12, v54;
	(drf) =	sdiv.u32 s16, s19;
	s16 =	spop (drf);
	s17 =	ssub.s32 s10, s29  }
0x35e: {  	v54 =	vsel vm5, s5, v54;
	s15 =	sxor.u32 s13, s21;
	s26 =	spop (drf);
	s24 =	sxor.u32 s20, s24  }
0x35f: {  	s21 =	sxor.u32 s15, s16;
	v54 =	vsel vm11, s0, v54;
	s29 =	sxor.u32 s24, s26;
	s26 =	rddreg [dreg:$0x1e]  }
0x360: {  	s12 =	spop (drf);
	s23 =	ssub.s32 s21, s15;
	v54 =	vsel vm14, s17, v54;
	s1 =	sxor.u32 s26, s14  }
0x361: {  	v54 =	vsel vm10, s23, v54;
	s23 =	sld [smem:$0x7EB];
	s13 =	sxor.u32 s1, s12  }
0x362: {  	s16 =	ssub.s32 s13, s1;
	s1 =	sld [smem:$0x7EA]  }
0x363: {  	s15 =	spop (drf);
	s14 =	sxor.u32 s3, s25  }
0x364: {  	s0 =	ssub.s32 s29, s24;
	s17 =	sxor.u32 s14, s15  }
0x365: {  	v54 =	vsel vm7, s0, v54;
	s29 =	sxor.u32 s23, s31;
	s24 =	spop (drf);
	s22 =	sxor.u32 s1, s22  }
0x366: {  	s21 =	ssub.s32 s17, s14;
	v54 =	vsel vm1, s16, v54;
	s31 =	spop (drf);
	s25 =	sxor.u32 s22, s24  }
0x367: {  	v54 =	vsel vm8, s21, v54;
	s10 =	sxor.u32 s29, s31;
	s7 =	ssub.s32 s25, s22  }
0x368: {  	s11 =	ssub.s32 s10, s29;
	v54 =	vsel vm12, s7, v54  }
0x369: {  	v54 =	vsel vm13, s11, v54  }
0x36a: {  	v61 =	vshll.u32 v54, $0x3  }
0x36b: {  	v53 =	vadd.s32 v30, v53;
	v62 =	vand.u32 $0x7F, v54;
	v55 =	vand.u32 $0xFFFFFC00, v61  }
0x36c: {  	v55 =	vor.u32 v62, v55  }
0x36d: {  	v55 =	vadd.s32 v29, v55;
	_ =	sdelay $0x1  }
0x36e: {  	v59 =	vld [tilespmem:$0x1FFC0];
	s13 =	simm.s32 $0x180  }
0x36f: {  	s14 =	simm.s32 $0x280;
	v53 =	vld.idx.msk [tilespmem:v53+s13+$0x0], $0xffff  }
0x370: {  	s12 =	simm.s32 $0x300;
	v63 =	vld.idx.msk [tilespmem:v44+s14+$0x0], $0xffff  }
0x371: {  	v55 =	vld.idx.msk [tilespmem:v55+s12+$0x0], $0xffff;
	_ =	sdelay $0x3  }
0x372: {  	vm0 =	vnez.u8 v59  }
0x373: {  	v53 =	vsel vm0, v63, v53;
	v54 =	vsub.s32 v55, v54  }
0x374: {  	[tilespmem:$0x2370] =	vst v53;
	v54 =	vmul.u32 v50, v54  }
0x375: {  	v51 =	vadd.s32 v6, v51;
	[tilespmem:$0x2470] =	vst v52  }
0x376: {  	[tilespmem:$0x2570] =	vst v51;
	v52 =	vadd.s32 v52, v54  }
0x377: {  	s15 =	simm.s32 $0x100;
	[tilespmem:$0x2670] =	vst v52  }
0x378: {  	s16 =	simm.s32 $0x80;
	v53 =	vld.idx.msk [tilespmem:v33+s15+$0x0], $0xffff  }
0x379: {  	v51 =	vld.idx.msk [tilespmem:v33+s16+$0x0], $0xffff;
	_ =	sdelay $0x4  }
0x37a: {  	v51 =	vadd.s32 v53, v51  }
0x37b: {  	v52 =	vadd.s32 v7, v51  }
0x37c: {  	(v2sf) =	vpush v52, $0x0;
	_ =	sdelay $0x2  }
0x37d: {  	(v2sf) =	vpush v52, $0xF;
	_ =	sdelay $0x1  }
0x37e: {  	(v2sf) =	vpush v52, $0x1  }
0x37f: {  	(v2sf) =	vpush v52, $0x2  }
0x380: {  	(v2sf) =	vpush v52, $0x3;
	_ =	sdelay $0x1  }
0x381: {  	(v2sf) =	vpush v52, $0x4;
	_ =	sdelay $0x5  }
0x382: {  	(v2sf) =	vpush v52, $0x5;
	s17 =	spop (v2sf)  }
0x383: {  	s24 =	sld [smem:$0x7F0];
	(v2sf) =	vpush v52, $0x6;
	s5 =	sshra.s32 s17, $0x1F  }
0x384: {  	(v2sf) =	vpush v52, $0x7;
	s0 =	sxor.u32 s5, s17  }
0x385: {  	s13 =	sld [smem:$0x7F2];
	s21 =	spop (v2sf);
	s0 =	ssub.s32 s0, s5  }
0x386: {  	s31 =	sld [smem:$0x7F1];
	s9 =	sshra.s32 s21, $0x1F;
	(drf) =	sdiv.u32 s0, s24  }
0x387: {  	s22 =	spop (v2sf);
	s17 =	rddreg [dreg:$0x1a];
	s25 =	sxor.u32 s9, s21  }
0x388: {  	s7 =	sshra.s32 s22, $0x1F;
	s29 =	spop (v2sf);
	s0 =	ssub.s32 s25, s9  }
0x389: {  	s10 =	sxor.u32 s7, s22;
	s12 =	sshra.s32 s29, $0x1F;
	s15 =	spop (v2sf)  }
0x38a: {  	s24 =	sld [smem:$0x7F3];
	(drf) =	sdiv.u32 s0, s31;
	s10 =	ssub.s32 s10, s7  }
0x38b: {  	s14 =	sxor.u32 s12, s29;
	s11 =	sshra.s32 s15, $0x1F;
	s16 =	spop (v2sf)  }
0x38c: {  	s29 =	sld [smem:$0x7F4];
	(drf) =	sdiv.u32 s10, s13;
	s0 =	ssub.s32 s14, s12  }
0x38d: {  	s21 =	sxor.u32 s11, s15;
	s14 =	sshra.s32 s16, $0x1F;
	(drf) =	sdiv.u32 s0, s17  }
0x38e: {  	s31 =	sxor.u32 s2, s5;
	s0 =	ssub.s32 s21, s11;
	s22 =	sxor.u32 s14, s16  }
0x38f: {  	(v2sf) =	vpush v52, $0x8;
	(drf) =	sdiv.u32 s0, s24;
	s25 =	ssub.s32 s22, s14;
	s2 =	spop (drf)  }
0x390: {  	(v2sf) =	vpush v52, $0x9;
	s7 =	sxor.u32 s30, s7;
	(drf) =	sdiv.u32 s25, s29;
	s5 =	sxor.u32 s31, s2  }
0x391: {  	(v2sf) =	vpush v52, $0xA;
	s30 =	spop (v2sf);
	s10 =	ssub.s32 s5, s31;
	s5 =	sld [smem:$0x7F6]  }
0x392: {  	s17 =	sld [smem:$0x7FA];
	s31 =	spop (v2sf)  }
0x393: {  	(v2sf) =	vpush v52, $0xB;
	s12 =	sxor.u32 s18, s12;
	s22 =	rddreg [dreg:$0x16];
	s2 =	spop (v2sf)  }
0x394: {  	s24 =	sxor.u32 s22, s14;
	s0 =	sxor.u32 s5, s9;
	s9 =	spop (drf)  }
0x395: {  	(v2sf) =	vpush v52, $0xC;
	s18 =	sxor.u32 s17, s11;
	s17 =	sshra.s32 s2, $0x1F;
	s13 =	spop (drf)  }
0x396: {  	s5 =	sxor.u32 s0, s9;
	s9 =	sxor.u32 s7, s13;
	s15 =	spop (drf)  }
0x397: {  	s0 =	ssub.s32 s5, s0;
	s5 =	ssub.s32 s9, s7;
	s16 =	sxor.u32 s12, s15  }
0x398: {  	s21 =	spop (drf);
	s15 =	sshra.s32 s31, $0x1F;
	s7 =	ssub.s32 s16, s12  }
0x399: {  	s11 =	sxor.u32 s18, s21;
	s25 =	spop (drf);
	s12 =	sshra.s32 s30, $0x1F  }
0x39a: {  	(v2sf) =	vpush v52, $0xD;
	s14 =	sxor.u32 s15, s31;
	s16 =	sxor.u32 s17, s2;
	s13 =	sxor.u32 s12, s30  }
0x39b: {  	s9 =	ssub.s32 s11, s18;
	s18 =	rddreg [dreg:$0x17];
	s13 =	ssub.s32 s13, s12  }
0x39c: {  	s21 =	rddreg [dreg:$0x1f];
	s29 =	sxor.u32 s24, s25;
	(drf) =	sdiv.u32 s13, s18  }
0x39d: {  	(v2sf) =	vpush v52, $0xE;
	s14 =	ssub.s32 s14, s15;
	s22 =	ssub.s32 s16, s17;
	s30 =	sld [smem:$0x7EC]  }
0x39e: {  	s11 =	ssub.s32 s29, s24;
	s24 =	spop (v2sf);
	s12 =	sxor.u32 s28, s12  }
0x39f: {  	s13 =	sshra.s32 s24, $0x1F;
	s25 =	spop (v2sf);
	(drf) =	sdiv.u32 s14, s21  }
0x3a0: {  	s14 =	sxor.u32 s13, s24;
	s21 =	sshra.s32 s25, $0x1F;
	s29 =	spop (v2sf)  }
0x3a1: {  	(drf) =	sdiv.u32 s22, s30;
	s14 =	ssub.s32 s14, s13;
	s16 =	sxor.u32 s21, s25  }
0x3a2: {  	s24 =	sshra.s32 s29, $0x1F;
	s25 =	spop (v2sf);
	(drf) =	sdiv.u32 s14, s6  }
0x3a3: {  	s31 =	ssub.s32 s16, s21;
	s2 =	sxor.u32 s24, s29;
	s6 =	rddreg [dreg:$0x19]  }
0x3a4: {  	s14 =	sshra.s32 s25, $0x1F;
	s29 =	spop (v2sf);
	(drf) =	sdiv.u32 s31, s6  }
0x3a5: {  	s22 =	ssub.s32 s2, s24;
	s16 =	sxor.u32 s14, s25;
	s31 =	spop (drf)  }
0x3a6: {  	(drf) =	sdiv.u32 s22, s4;
	s4 =	sld [smem:$0x7ED];
	s2 =	sxor.u32 s12, s31  }
0x3a7: {  	s25 =	sshra.s32 s29, $0x1F;
	s12 =	ssub.s32 s2, s12;
	s2 =	sld [smem:$0x7EE]  }
0x3a8: {  	s16 =	ssub.s32 s16, s14;
	s22 =	sxor.u32 s25, s29;
	s31 =	sld [smem:$0x7FC]  }
0x3a9: {  	s28 =	spop (v2sf);
	s22 =	ssub.s32 s22, s25;
	(drf) =	sdiv.u32 s16, s4  }
0x3aa: {  	(drf) =	sdiv.u32 s22, s2;
	s22 =	sshra.s32 s28, $0x1F  }
0x3ab: {  	v60 =	vmov s0;
	s15 =	sxor.u32 s31, s15;
	s0 =	sxor.u32 s22, s28;
	s28 =	spop (drf)  }
0x3ac: {  	v54 =	vsel vm9, s10, v60;
	s29 =	spop (v2sf);
	s16 =	sxor.u32 s15, s28  }
0x3ad: {  	v54 =	vsel vm2, s5, v54;
	s31 =	sshra.s32 s29, $0x1F;
	s5 =	ssub.s32 s16, s15;
	s15 =	rddreg [dreg:$0x1c]  }
0x3ae: {  	s0 =	ssub.s32 s0, s22;
	s28 =	sxor.u32 s31, s29;
	s16 =	sld [smem:$0x7FD]  }
0x3af: {  	s29 =	ssub.s32 s28, s31;
	s28 =	sld [smem:$0x7EF];
	(drf) =	sdiv.u32 s0, s15  }
0x3b0: {  	v54 =	vsel vm3, s7, v54;
	s10 =	spop (drf);
	s0 =	sxor.u32 s8, s17;
	(drf) =	sdiv.u32 s29, s19  }
0x3b1: {  	v54 =	vsel vm4, s9, v54;
	s7 =	sxor.u32 s0, s10;
	s19 =	spop (drf);
	s17 =	sxor.u32 s16, s13  }
0x3b2: {  	v54 =	vsel vm6, s11, v54;
	s21 =	sxor.u32 s28, s21;
	s29 =	spop (drf);
	s0 =	ssub.s32 s7, s0  }
0x3b3: {  	v54 =	vsel vm15, s12, v54;
	s13 =	sxor.u32 s20, s24;
	s10 =	sxor.u32 s17, s19;
	s16 =	spop (drf)  }
0x3b4: {  	v54 =	vsel vm5, s5, v54;
	s19 =	sxor.u32 s26, s14;
	s8 =	ssub.s32 s10, s17;
	s10 =	sxor.u32 s21, s29  }
0x3b5: {  	v54 =	vsel vm11, s0, v54;
	s14 =	sxor.u32 s1, s22;
	s12 =	ssub.s32 s10, s21;
	s21 =	spop (drf)  }
0x3b6: {  	s17 =	sxor.u32 s13, s16;
	s29 =	sxor.u32 s3, s25;
	v54 =	vsel vm14, s8, v54;
	s24 =	sxor.u32 s19, s21  }
0x3b7: {  	s0 =	ssub.s32 s17, s13;
	s8 =	spop (drf);
	v54 =	vsel vm10, s12, v54;
	s10 =	ssub.s32 s24, s19  }
0x3b8: {  	s12 =	sxor.u32 s29, s8;
	v54 =	vsel vm7, s0, v54;
	s19 =	sxor.u32 s23, s31;
	s16 =	spop (drf)  }
0x3b9: {  	s13 =	ssub.s32 s12, s29;
	v54 =	vsel vm1, s10, v54;
	s17 =	sxor.u32 s14, s16;
	s21 =	spop (drf)  }
0x3ba: {  	v54 =	vsel vm8, s13, v54;
	s22 =	ssub.s32 s17, s14;
	s24 =	sxor.u32 s19, s21  }
0x3bb: {  	v54 =	vsel vm12, s22, v54;
	s25 =	ssub.s32 s24, s19  }
0x3bc: {  	v54 =	vsel vm13, s25, v54  }
0x3bd: {  	v61 =	vshll.u32 v54, $0x3  }
0x3be: {  	v62 =	vand.u32 $0x7F, v54;
	v55 =	vand.u32 $0xFFFFFC00, v61  }
0x3bf: {  	v53 =	vadd.s32 v38, v53;
	v55 =	vor.u32 v62, v55  }
0x3c0: {  	v55 =	vadd.s32 v37, v55;
	_ =	sdelay $0x1  }
0x3c1: {  	v58 =	vld [tilespmem:$0x1FFE0];
	s5 =	simm.s32 $0x280  }
0x3c2: {  	v63 =	vld.idx.msk [tilespmem:v48+s5+$0x0], $0xffff;
	s31 =	simm.s32 $0x180  }
0x3c3: {  	s29 =	simm.s32 $0x300;
	v53 =	vld.idx.msk [tilespmem:v53+s31+$0x0], $0xffff  }
0x3c4: {  	v55 =	vld.idx.msk [tilespmem:v55+s29+$0x0], $0xffff;
	_ =	sdelay $0x3  }
0x3c5: {  	vm0 =	vnez.u8 v58  }
0x3c6: {  	v53 =	vsel vm0, v63, v53;
	v54 =	vsub.s32 v55, v54  }
0x3c7: {  	[tilespmem:$0x2380] =	vst v53;
	v54 =	vmul.u32 v50, v54  }
0x3c8: {  	v51 =	vadd.s32 v8, v51;
	[tilespmem:$0x2480] =	vst v52  }
0x3c9: {  	[tilespmem:$0x2580] =	vst v51;
	v52 =	vadd.s32 v52, v54  }
0x3ca: {  	s7 =	simm.s32 $0x100;
	[tilespmem:$0x2680] =	vst v52  }
0x3cb: {  	s8 =	simm.s32 $0x80;
	v53 =	vld.idx.msk [tilespmem:v42+s7+$0x0], $0xffff  }
0x3cc: {  	v51 =	vld.idx.msk [tilespmem:v42+s8+$0x0], $0xffff;
	_ =	sdelay $0x4  }
0x3cd: {  	v52 =	vadd.s32 v53, v51  }
0x3ce: {  	v51 =	vadd.s32 v9, v52  }
0x3cf: {  	(v2sf) =	vpush v51, $0x0  }
0x3d0: {  	(v2sf) =	vpush v51, $0xF;
	_ =	sdelay $0x1  }
0x3d1: {  	(v2sf) =	vpush v51, $0x1  }
0x3d2: {  	(v2sf) =	vpush v51, $0x2;
	_ =	sdelay $0x1  }
0x3d3: {  	(v2sf) =	vpush v51, $0x3  }
0x3d4: {  	(v2sf) =	vpush v51, $0x4;
	_ =	sdelay $0x1  }
0x3d5: {  	(v2sf) =	vpush v51, $0x5;
	_ =	sdelay $0x1  }
0x3d6: {  	(v2sf) =	vpush v51, $0x6  }
0x3d7: {  	(v2sf) =	vpush v51, $0x7;
	_ =	sdelay $0x2  }
0x3d8: {  	s12 =	sld [smem:$0x7F0];
	(v2sf) =	vpush v51, $0x8;
	s9 =	spop (v2sf)  }
0x3d9: {  	s16 =	sld [smem:$0x7F1];
	s22 =	sshra.s32 s9, $0x1F;
	s10 =	spop (v2sf)  }
0x3da: {  	s21 =	sld [smem:$0x7F2];
	s0 =	sxor.u32 s22, s9;
	s24 =	sshra.s32 s10, $0x1F  }
0x3db: {  	s11 =	spop (v2sf);
	s9 =	rddreg [dreg:$0x1a];
	s0 =	ssub.s32 s0, s22  }
0x3dc: {  	(v2sf) =	vpush v51, $0x9;
	s5 =	sxor.u32 s24, s10;
	s10 =	sshra.s32 s11, $0x1F;
	s19 =	spop (v2sf)  }
0x3dd: {  	(v2sf) =	vpush v51, $0xA;
	(drf) =	sdiv.u32 s0, s12;
	s13 =	ssub.s32 s5, s24;
	s14 =	sxor.u32 s10, s11  }
0x3de: {  	(v2sf) =	vpush v51, $0xB;
	s31 =	sshra.s32 s19, $0x1F;
	s25 =	spop (v2sf);
	s12 =	sld [smem:$0x7F3]  }
0x3df: {  	(v2sf) =	vpush v51, $0xC;
	(drf) =	sdiv.u32 s13, s16;
	s17 =	ssub.s32 s14, s10;
	s29 =	spop (v2sf)  }
0x3e0: {  	s5 =	sxor.u32 s31, s19;
	s16 =	sld [smem:$0x7F4];
	(drf) =	sdiv.u32 s17, s21  }
0x3e1: {  	(v2sf) =	vpush v51, $0xD;
	s21 =	sshra.s32 s25, $0x1F;
	s5 =	ssub.s32 s5, s31;
	s14 =	spop (v2sf)  }
0x3e2: {  	s0 =	sxor.u32 s21, s25;
	s25 =	sshra.s32 s29, $0x1F;
	(drf) =	sdiv.u32 s5, s9  }
0x3e3: {  	(v2sf) =	vpush v51, $0xE;
	s17 =	spop (v2sf);
	s9 =	sshra.s32 s14, $0x1F;
	s0 =	ssub.s32 s0, s21  }
0x3e4: {  	s11 =	sxor.u32 s25, s29;
	s5 =	sxor.u32 s9, s14;
	s19 =	spop (v2sf)  }
0x3e5: {  	(drf) =	sdiv.u32 s0, s12;
	s13 =	ssub.s32 s11, s25;
	s12 =	sshra.s32 s17, $0x1F  }
0x3e6: {  	s5 =	ssub.s32 s5, s9;
	s29 =	sshra.s32 s19, $0x1F;
	s11 =	rddreg [dreg:$0x1f]  }
0x3e7: {  	s14 =	spop (v2sf);
	(drf) =	sdiv.u32 s13, s16;
	s0 =	sxor.u32 s12, s17  }
0x3e8: {  	s8 =	sxor.u32 s29, s19;
	s7 =	sshra.s32 s14, $0x1F;
	(drf) =	sdiv.u32 s5, s18  }
0x3e9: {  	s0 =	ssub.s32 s0, s12;
	s13 =	ssub.s32 s8, s29;
	s18 =	rddreg [dreg:$0x18]  }
0x3ea: {  	s5 =	sxor.u32 s7, s14;
	s14 =	rddreg [dreg:$0x1b];
	(drf) =	sdiv.u32 s0, s11  }
0x3eb: {  	s5 =	ssub.s32 s5, s7;
	(drf) =	sdiv.u32 s13, s30;
	s16 =	spop (v2sf)  }
0x3ec: {  	(drf) =	sdiv.u32 s5, s18;
	s17 =	spop (v2sf);
	s11 =	sshra.s32 s16, $0x1F  }
0x3ed: {  	s0 =	sxor.u32 s11, s16;
	s19 =	sshra.s32 s17, $0x1F;
	s13 =	spop (v2sf)  }
0x3ee: {  	s0 =	ssub.s32 s0, s11;
	s30 =	sxor.u32 s19, s17;
	s16 =	spop (v2sf)  }
0x3ef: {  	s11 =	sxor.u32 s28, s11;
	(drf) =	sdiv.u32 s0, s6;
	s8 =	ssub.s32 s30, s19  }
0x3f0: {  	s18 =	spop (v2sf);
	s5 =	sshra.s32 s16, $0x1F;
	(drf) =	sdiv.u32 s8, s14  }
0x3f1: {  	s8 =	sshra.s32 s13, $0x1F;
	s0 =	sxor.u32 s5, s16;
	s6 =	sshra.s32 s18, $0x1F  }
0x3f2: {  	s14 =	spop (v2sf);
	s16 =	sld [smem:$0x7F5];
	s3 =	sxor.u32 s3, s5  }
0x3f3: {  	s17 =	sxor.u32 s8, s13;
	s0 =	ssub.s32 s0, s5;
	s13 =	sxor.u32 s6, s18  }
0x3f4: {  	s18 =	sld [smem:$0x7F6];
	s1 =	sxor.u32 s1, s6;
	s30 =	ssub.s32 s17, s8  }
0x3f5: {  	s13 =	ssub.s32 s13, s6;
	s8 =	sxor.u32 s26, s8;
	(drf) =	sdiv.u32 s30, s4  }
0x3f6: {  	s17 =	sxor.u32 s16, s22;
	s4 =	sld [smem:$0x7F7];
	(drf) =	sdiv.u32 s0, s2  }
0x3f7: {  	s0 =	sshra.s32 s14, $0x1F;
	s22 =	sxor.u32 s18, s24;
	s24 =	spop (drf)  }
0x3f8: {  	s18 =	sld [smem:$0x7F9];
	(drf) =	sdiv.u32 s13, s15;
	s13 =	sxor.u32 s0, s14  }
0x3f9: {  	s16 =	sxor.u32 s17, s24;
	s30 =	spop (drf);
	s24 =	sld [smem:$0x7FA]  }
0x3fa: {  	s13 =	ssub.s32 s13, s0;
	s14 =	sxor.u32 s22, s30;
	s0 =	sxor.u32 s23, s0  }
0x3fb: {  	(drf) =	sdiv.u32 s13, s4;
	s4 =	ssub.s32 s16, s17;
	s16 =	sld [smem:$0x7F8]  }
0x3fc: {  	s13 =	ssub.s32 s14, s22;
	s17 =	spop (drf);
	s22 =	sxor.u32 s18, s31  }
0x3fd: {  	s30 =	sxor.u32 s24, s21;
	s31 =	spop (drf);
	s24 =	sld [smem:$0x7FC]  }
0x3fe: {  	s18 =	rddreg [dreg:$0x16];
	s2 =	spop (drf);
	s10 =	sxor.u32 s16, s10  }
0x3ff: {  	s16 =	sxor.u32 s18, s25;
	s21 =	spop (drf);
	s14 =	sxor.u32 s10, s17  }
0x400: {  	s17 =	sxor.u32 s22, s31;
	s12 =	sxor.u32 s24, s12;
	s10 =	ssub.s32 s14, s10  }
0x401: {  	v59 =	vmov s13;
	s14 =	ssub.s32 s17, s22;
	s17 =	sxor.u32 s30, s2;
	s22 =	sld [smem:$0x7FB]  }
0x402: {  	v54 =	vsel vm9, s4, v59;
	s25 =	spop (drf);
	s15 =	ssub.s32 s17, s30;
	s17 =	sxor.u32 s16, s21  }
0x403: {  	s30 =	spop (drf);
	v54 =	vsel vm2, s10, v54;
	s21 =	sld [smem:$0x7FD];
	s31 =	ssub.s32 s17, s16  }
0x404: {  	s4 =	sxor.u32 s12, s30;
	v54 =	vsel vm3, s14, v54;
	s16 =	rddreg [dreg:$0x1d];
	s9 =	sxor.u32 s22, s9  }
0x405: {  	s18 =	spop (drf);
	s4 =	ssub.s32 s4, s12;
	v54 =	vsel vm4, s15, v54;
	s13 =	sxor.u32 s9, s25  }
0x406: {  	s17 =	sxor.u32 s16, s29;
	s22 =	spop (drf);
	v54 =	vsel vm6, s31, v54;
	s9 =	ssub.s32 s13, s9  }
0x407: {  	s29 =	sxor.u32 s20, s19;
	s7 =	sxor.u32 s21, s7;
	s13 =	sxor.u32 s17, s18;
	v54 =	vsel vm15, s9, v54  }
0x408: {  	s24 =	spop (drf);
	s14 =	sxor.u32 s7, s22;
	s25 =	ssub.s32 s13, s17;
	v54 =	vsel vm5, s4, v54  }
0x409: {  	s10 =	sxor.u32 s11, s24;
	s30 =	spop (drf);
	s7 =	ssub.s32 s14, s7;
	v54 =	vsel vm11, s25, v54  }
0x40a: {  	s28 =	ssub.s32 s10, s11;
	s31 =	spop (drf);
	s12 =	sxor.u32 s29, s30;
	v54 =	vsel vm14, s7, v54  }
0x40b: {  	s2 =	spop (drf);
	s5 =	sxor.u32 s8, s31;
	s13 =	ssub.s32 s12, s29;
	v54 =	vsel vm10, s28, v54  }
0x40c: {  	s5 =	ssub.s32 s5, s8;
	s14 =	spop (drf);
	s7 =	sxor.u32 s3, s2;
	v54 =	vsel vm7, s13, v54  }
0x40d: {  	s4 =	sxor.u32 s1, s14;
	s15 =	spop (drf);
	s3 =	ssub.s32 s7, s3;
	v54 =	vsel vm1, s5, v54  }
0x40e: {  	s1 =	ssub.s32 s4, s1;
	s2 =	sxor.u32 s0, s15;
	v54 =	vsel vm8, s3, v54  }
0x40f: {  	s0 =	ssub.s32 s2, s0;
	v54 =	vsel vm12, s1, v54  }
0x410: {  	v54 =	vsel vm13, s0, v54  }
0x411: {  	v60 =	vshll.u32 v54, $0x3  }
0x412: {  	v61 =	vand.u32 $0x7F, v54;
	v55 =	vand.u32 $0xFFFFFC00, v60  }
0x413: {  	v53 =	vadd.s32 v47, v53;
	v55 =	vor.u32 v61, v55  }
0x414: {  	v55 =	vadd.s32 v46, v55;
	_ =	sdelay $0x1  }
0x415: {  	v63 =	vld [tilespmem:$0x1FFD0];
	s18 =	simm.s32 $0x280  }
0x416: {  	s17 =	simm.s32 $0x180;
	v62 =	vld.idx.msk [tilespmem:v49+s18+$0x0], $0xffff  }
0x417: {  	s16 =	simm.s32 $0x300;
	v53 =	vld.idx.msk [tilespmem:v53+s17+$0x0], $0xffff  }
0x418: {  	v55 =	vld.idx.msk [tilespmem:v55+s16+$0x0], $0xffff;
	_ =	sdelay $0x3  }
0x419: {  	vm0 =	vnez.u8 v63  }
0x41a: {  	s26 =	rddreg [dreg:$0xf];
	v53 =	vsel vm0, v62, v53;
	v54 =	vsub.s32 v55, v54  }
0x41b: {  	s19 =	rddreg [dreg:$0xc];
	[tilespmem:$0x2390] =	vst v53;
	v50 =	vmul.u32 v50, v54  }
0x41c: {  	v52 =	vadd.s32 v10, v52;
	s20 =	rddreg [dreg:$0x10];
	[tilespmem:$0x2490] =	vst v51  }
0x41d: {  	s21 =	rddreg [dreg:$0xd];
	[tilespmem:$0x2590] =	vst v52;
	v50 =	vadd.s32 v51, v50  }
0x41e: {  	s23 =	simm.s32 $0x0;
	s22 =	rddreg [dreg:$0x11];
	[tilespmem:$0x2690] =	vst v50  }
0x41f: {  	[hbm4b:s19+s23] =	stream.linear.scatter [tilespmem:s20], [sflag:$0x1], $0xA0, $0x38;
	[tilespmem:$0x2700] =	vst v63  }
0x420: {  	s24 =	rddreg [dreg:$0xe]  }
0x421: {  	[hbm4b:s21+s23] =	stream.linear.scatter [tilespmem:s22], [sflag:$0x1], $0xA0, $0x38;
	[tilespmem:$0x2700] =	vst v63  }
0x422: {  	s25 =	rddreg [dreg:$0x12]  }
0x423: {  	[hbm4b:s24+s23] =	stream.linear.scatter [tilespmem:s25], [sflag:$0x1], $0xA0, $0x38;
	[tilespmem:$0x2700] =	vst v63  }
0x424: {  	s30 =	simm.s32 $0x1;
	s28 =	rddreg [dreg:$0x13]  }
0x425: {  	[hbm4b:s26+s23] =	stream.linear.scatter [tilespmem:s28], [sflag:$0x1], $0xA0, $0x38;
	[tilespmem:$0x2700] =	vst v63  }
0x426: {  	s29 =	rddreg [dreg:$0x15];
	_ =	swait.ge [sflag:s30], $0xA0  }
0x427: {  	[sflag:s30] =	ssyncset.done $0x0  }
0x428: {  	[sflag:s30] =	ssyncadd.s32 $0xFFFFFF60  }
0x429: {  	_ =	swait.ge [sflag:s30], $0xA0  }
0x42a: {  	[sflag:s30] =	ssyncset.done $0x0  }
0x42b: {  	[sflag:s30] =	ssyncadd.s32 $0xFFFFFF60  }
0x42c: {  	p0 =	sne.s32 s29, $0x1;
	_ =	swait.ge [sflag:s30], $0xA0  }
.Ltmp0:
0x42d: {  	[sflag:s30] =	ssyncset.done $0x0;
	(pc) =	sbr.rel @p0 .LBB2_1-.Ltmp0, $4  }
0x42e: {  	[sflag:s30] =	ssyncadd.s32 $0xFFFFFF60  }
0x42f: {  	_ =	swait.ge [sflag:s30], $0xA0  }
0x430: {  	s31 =	simm.s32 $0x1;
	[sflag:s30] =	ssyncset.done $0x0  }
0x431: {  	s1 =	sadd.s32 $0xFFFFFFFF, s29;
	[sflag:s31] =	ssyncadd.s32 $0xFFFFFF60  }
0x432: {  	_ =	sfence.sel $0x180000  }
0x433: {  	[bflag:$0x0] =	sbarrier.arrive $0xFFFF  }
0x434: {  	_ =	strace $0x90000047  }
0x435: {  	s0 =	stileid.u32;
	[bflag:$0x2] =	sbarrier.arrive $0xFFFF  }
0x436: {  	p0 =	sne.s32 s0, $0x0;
	s0 =	rddreg [dreg:$0x6]  }
0x437: {  	s0 =	sadd.s32 @!p0 $0x100000, s0  }
0x438: {  	[sflag:s0] =	ssyncadd.tile.s32 @!p0 $0x1;
	_ =	shalt  }
.Lfunc_end2:
_tile_overlayer_lowered:
.L_overlay_start_2:
0x439: {  	(tag) =	ssettag $0x2  }
0x43a: {  	s0 =	rddreg [dreg:$0x0];
	s2 =	stileid.u32  }
0x43b: {  	s1 =	rddreg [dreg:$0x1];
	p0 =	sne.s32 s2, $0x0  }
0x43c: {  	s3 =	rddreg [dreg:$0x2];
	[bflag:$0x3] =	sbarrier.arrive $0xFFFF;
	s2 =	simm.s32 @!p0 $0x1C02  }
0x43d: {  	[timem:s3], [sflag:s2] =	dma.local @!p0 [hbm:s0], s1  }
0x43e: {  	s0 =	simm.s32 @!p0 $0x2  }
0x43f: {  	_ =	swait.ge @!p0 [sflag:s0], s1  }
0x440: {  	s1 =	ssub.s32 @!p0 $0x0, s1;
	[sflag:s0] =	ssyncset.done @!p0 $0x0  }
0x441: {  	[sflag:s0] =	ssyncadd.s32 @!p0 s1  }
0x442: {  	[bflag:$0x3] =	sbarrier.arrive $0xFFFF  }
0x443: {  	_ =	shalt  }

</sc_bundles>
